<compile_context>
chip_gen: v7x
topology: tpu7x:2x2x1
jax: 0.10.2.dev20260603
libtpu: 0.0.44.dev20260713+nightly
codegen_flags: <defaults>
</compile_context>

<pallas_src>
import functools

import jax
import jax.numpy as jnp
from jax import lax
from jax.experimental import pallas as pl
from jax.experimental.pallas import tpu as pltpu
from jax.experimental.pallas import tpu_sc as plsc

K_TOTAL = 8192
D = 256
N_BATCH = 16
HW = 1024
K_BLK = 1024
K_STEPS = K_TOTAL // K_BLK
LOSS_SCALE = 0.25 / float(N_BATCH * HW * D)


def _dist_argmin_body(z_ref, cb_ref, sumx_ref, sumc_ref,
                      idx_ref, minval_ref, loss_ref, mv_s, mi_s):
    k = pl.program_id(1)
    b = pl.program_id(0)
    zb = z_ref[0]
    cb = cb_ref[...]
    z2 = (2.0 * zb).astype(jnp.bfloat16)
    dot2 = lax.dot_general(cb.astype(jnp.bfloat16), z2,
                           (((1,), (0,)), ((), ())),
                           preferred_element_type=jnp.float32)
    sumx = sumx_ref[0]
    sumc = sumc_ref[...]
    d2 = (sumx - dot2) + sumc
    dist = jnp.sqrt(jnp.maximum(d2, 0.0))
    bmin = jnp.min(dist, axis=0, keepdims=True)
    iota = lax.broadcasted_iota(jnp.int32, dist.shape, 0)
    bidx = jnp.min(jnp.where(dist == bmin, iota, K_BLK), axis=0) + k * K_BLK

    @pl.when(k == 0)
    def _():
        mv_s[0, :] = bmin[0].astype(jnp.bfloat16)
        mi_s[0, :] = bidx

    @pl.when(k > 0)
    def _():
        prev = mv_s[0, :].astype(jnp.float32)
        better = bmin[0] < prev
        mv_s[0, :] = jnp.where(better, bmin[0], prev).astype(jnp.bfloat16)
        mi_s[0, :] = jnp.where(better, bidx, mi_s[0, :])

    @pl.when((b == 0) & (k == 0))
    def _():
        loss_ref[0, 0] = 0.0

    @pl.when(k == K_STEPS - 1)
    def _():
        mv = mv_s[0, :].astype(jnp.float32)
        minval_ref[0, 0, :] = mv
        idx_ref[0, 0, :] = mi_s[0, :]
        part = jnp.sum(mv * mv)
        @pl.when(b == N_BATCH - 1)
        def _():
            loss_ref[0, 0] = (loss_ref[0, 0] + part) * LOSS_SCALE
        @pl.when(b < N_BATCH - 1)
        def _():
            loss_ref[0, 0] = loss_ref[0, 0] + part


def _dist_argmin(zr, codebook, sumx, sumc):
    return pl.pallas_call(
        _dist_argmin_body,
        grid=(N_BATCH, K_STEPS),
        in_specs=[
            pl.BlockSpec((1, D, HW), lambda b, k: (b, 0, 0)),
            pl.BlockSpec((K_BLK, D), lambda b, k: (k, 0)),
            pl.BlockSpec((1, 1, HW), lambda b, k: (b, 0, 0)),
            pl.BlockSpec((K_BLK, 1), lambda b, k: (k, 0)),
        ],
        out_specs=[
            pl.BlockSpec((1, 1, HW), lambda b, k: (b, 0, 0)),
            pl.BlockSpec((1, 1, HW), lambda b, k: (b, 0, 0)),
            pl.BlockSpec((1, 1), lambda b, k: (0, 0),
                         memory_space=pltpu.SMEM),
        ],
        out_shape=[
            jax.ShapeDtypeStruct((N_BATCH, 1, HW), jnp.int32),
            jax.ShapeDtypeStruct((N_BATCH, 1, HW), jnp.float32),
            jax.ShapeDtypeStruct((1, 1), jnp.float32),
        ],
        scratch_shapes=[
            pltpu.VMEM((8, HW), jnp.bfloat16),
            pltpu.VMEM((8, HW), jnp.int32),
        ],
        compiler_params=pltpu.CompilerParams(
            dimension_semantics=("arbitrary", "arbitrary"),
        ),
    )(zr, codebook, sumx, sumc)


_NW = 32
_ROWS_PER_W = (N_BATCH * HW) // _NW
_CHUNK = 128
_NCHUNK = _ROWS_PER_W // _CHUNK


def _sc_gather(codebook, idx3):
    mesh = plsc.VectorSubcoreMesh(core_axis_name="c", subcore_axis_name="s")

    @functools.partial(
        pl.kernel,
        mesh=mesh,
        out_type=jax.ShapeDtypeStruct((N_BATCH * HW, D), jnp.float32),
        scratch_types=[
            pltpu.VMEM((_NCHUNK, _CHUNK), jnp.int32),
            pltpu.VMEM((_CHUNK, D), jnp.float32),
            pltpu.SemaphoreType.DMA,
        ],
    )
    def gather_k(cb_hbm, idx_hbm, out_hbm, idx_v, rows_v, sem):
        wid = lax.axis_index("s") * 2 + lax.axis_index("c")
        base = wid * _ROWS_PER_W
        pltpu.sync_copy(idx_hbm.at[wid], idx_v)
        for j in range(_NCHUNK):
            pltpu.async_copy(cb_hbm.at[idx_v.at[j]], rows_v, sem).wait()
            pltpu.sync_copy(rows_v, out_hbm.at[pl.ds(base + j * _CHUNK, _CHUNK)])

    return gather_k(codebook, idx3)


def kernel(z, codebook):
    zr = z.reshape(N_BATCH, D, HW)
    sumx = jnp.sum(z * z, axis=1).reshape(N_BATCH, 1, HW)
    sumc = jnp.sum(codebook * codebook, axis=1)[:, None]
    idx, _minval, loss = _dist_argmin(zr, codebook, sumx, sumc)
    idx_w = idx.reshape(_NW, _NCHUNK, _CHUNK)
    rows = _sc_gather(codebook, idx_w)
    zq_out = rows.reshape(N_BATCH, 32, 32, D).transpose(0, 3, 1, 2)
    code_indices = idx.reshape(N_BATCH, 32, 32)
    return (loss[0, 0], zq_out, code_indices)

# --- scband reference (transcript-rebuilt; emitter-appended) ---
"""Pipeline reference for scband-my-codebook-ema-65575560675469 (READ-ONLY COPY).

The authoritative reference and input builder live on the scoring server;
editing this copy changes nothing except your own understanding.
"""

import jax, jax.numpy as jnp
import numpy as np

NUM_EMBEDDINGS = 8192
EMBEDDING_DIM = 256
COMMITMENT_COST = 0.25


def setup_inputs(seed: int = 0) -> dict:
    key = jax.random.key(seed)
    k1, k2 = jax.random.split(key)
    z = jax.random.normal(k1, (16, 256, 32, 32), dtype=jnp.float32)
    codebook = jax.random.normal(k2, (NUM_EMBEDDINGS, EMBEDDING_DIM), dtype=jnp.float32) / 2.0
    return {"z": z, "codebook": codebook}


def reference(z, codebook):
    # z: [B, C, H, W] -> [B, H, W, C]
    zt = jnp.transpose(z, (0, 2, 3, 1))
    nB, zH, zW, zC = zt.shape
    flat = zt.reshape(-1, zC)
    # Euclidean distances (cdist): sqrt(||x||^2 - 2 x.c + ||c||^2)
    d2 = (jnp.sum(flat * flat, axis=1, keepdims=True)
          - 2.0 * flat @ codebook.T
          + jnp.sum(codebook * codebook, axis=1)[None, :])
    distances = jnp.sqrt(jnp.maximum(d2, 0.0))
    code_indices = jnp.argmin(distances, axis=1).reshape(nB, zH, zW)
    z_quantized = jnp.take(codebook, code_indices, axis=0)  # [B, H, W, C]
    zq_sg = jax.lax.stop_gradient(z_quantized)
    commitment_loss = jnp.mean((zt - zq_sg) ** 2)
    loss = COMMITMENT_COST * commitment_loss
    # straight-through estimator
    zq_st = zt + jax.lax.stop_gradient(z_quantized - zt)
    zq_out = jnp.transpose(zq_st, (0, 3, 1, 2))
    return (loss, zq_out, code_indices)

if __name__ == "__main__":
    import jax
    _d = setup_inputs()
    print(jax.jit(kernel)(*tuple(_d.values())))

</pallas_src>

<mosaic_0001>
#map = affine_map<(d0, d1) -> (0, 0)>
#map1 = affine_map<(d0, d1) -> (0, 0, 0)>
module attributes {stable_mosaic.version = 14 : i64} {
  func.func @gather_k(%arg0: i32, %arg1: i32, %arg2: memref<8192x256xf32, #tpu.memory_space<hbm>>, %arg3: memref<32x4x128xi32, #tpu.memory_space<hbm>>, %arg4: memref<16384x256xf32, #tpu.memory_space<hbm>>, %arg5: memref<4x128xi32, #tpu.memory_space<vmem>>, %arg6: memref<128x256xf32, #tpu.memory_space<vmem>>, %arg7: memref<!tpu.dma_semaphore, #tpu.memory_space<semaphore_mem>>) attributes {dimension_semantics = [#tpu.dimension_semantics<core_parallel>, #tpu.dimension_semantics<subcore_parallel>], iteration_bounds = array<i64: 2, 16>, scalar_prefetch = 0 : i64, scratch_operands = 3 : i64, tpu.core_type = #tpu.core_type<sc_vector_subcore>, window_params = [{transform_indices = #map}, {transform_indices = #map1}, {transform_indices = #map}]} {
    %mul3A = arith.constant 2 : i32
    %mul3A_0 = arith.muli %arg1, %mul3A : i32
    %add3A = arith.addi %mul3A_0, %arg0 : i32
    %mul3A_1 = arith.constant 512 : i32
    %mul3A_2 = arith.muli %add3A, %mul3A_1 : i32
    "tpu.region"() ({
      %run_scoped3A = tpu.sem_alloc : memref<!tpu.dma_semaphore, #tpu.memory_space<semaphore_mem>>
      %dma_start3A_65 = arith.constant 0 : i32
      %dma_start3A_66 = arith.constant 0 : i32
      %dma_start3A_67 = tpu.memref_slice %arg3[%add3A, %dma_start3A_65, %dma_start3A_66] : memref<32x4x128xi32, #tpu.memory_space<hbm>> -> memref<1x4x128xi32, #tpu.memory_space<hbm>>
      %dma_start3A_68 = tpu.memref_squeeze %dma_start3A_67 : memref<1x4x128xi32, #tpu.memory_space<hbm>> -> memref<4x128xi32, #tpu.memory_space<hbm>>
      %dma_start3A_69 = arith.constant 0 : i32
      %dma_start3A_70 = arith.constant 0 : i32
      %dma_start3A_71 = tpu.memref_slice %arg3[%add3A, %dma_start3A_69, %dma_start3A_70] : memref<32x4x128xi32, #tpu.memory_space<hbm>> -> memref<1x4x128xi32, #tpu.memory_space<hbm>>
      %dma_start3A_72 = tpu.memref_squeeze %dma_start3A_71 : memref<1x4x128xi32, #tpu.memory_space<hbm>> -> memref<4x128xi32, #tpu.memory_space<hbm>>
      tpu.enqueue_dma source(%dma_start3A_72 : memref<4x128xi32, #tpu.memory_space<hbm>>) target(%arg5 : memref<4x128xi32, #tpu.memory_space<vmem>>) target_semaphore(%run_scoped3A : memref<!tpu.dma_semaphore, #tpu.memory_space<semaphore_mem>>)
      %dma_wait3A_73 = arith.constant 0 : i32
      %dma_wait3A_74 = arith.constant 0 : i32
      %dma_wait3A_75 = tpu.memref_slice %arg3[%add3A, %dma_wait3A_73, %dma_wait3A_74] : memref<32x4x128xi32, #tpu.memory_space<hbm>> -> memref<1x4x128xi32, #tpu.memory_space<hbm>>
      %dma_wait3A_76 = tpu.memref_squeeze %dma_wait3A_75 : memref<1x4x128xi32, #tpu.memory_space<hbm>> -> memref<4x128xi32, #tpu.memory_space<hbm>>
      %dma_wait3A_77 = arith.constant 0 : i32
      %dma_wait3A_78 = arith.constant 0 : i32
      %dma_wait3A_79 = tpu.memref_slice %arg3[%add3A, %dma_wait3A_77, %dma_wait3A_78] : memref<32x4x128xi32, #tpu.memory_space<hbm>> -> memref<1x4x128xi32, #tpu.memory_space<hbm>>
      %dma_wait3A_80 = tpu.memref_squeeze %dma_wait3A_79 : memref<1x4x128xi32, #tpu.memory_space<hbm>> -> memref<4x128xi32, #tpu.memory_space<hbm>>
      tpu.wait_dma2 semaphore(%run_scoped3A : memref<!tpu.dma_semaphore, #tpu.memory_space<semaphore_mem>>) src(%dma_wait3A_80 : memref<4x128xi32, #tpu.memory_space<hbm>>) dst(%arg5 : memref<4x128xi32, #tpu.memory_space<vmem>>)
      tpu.yield
    }) : () -> ()
    %dma_start3A = arith.constant 0 : i32
    %dma_start3A_3 = arith.constant 0 : i32
    %dma_start3A_4 = tpu.memref_slice %arg5[%dma_start3A, %dma_start3A_3] : memref<4x128xi32, #tpu.memory_space<vmem>> -> memref<1x128xi32, #tpu.memory_space<vmem>>
    %dma_start3A_5 = tpu.memref_squeeze %dma_start3A_4 : memref<1x128xi32, #tpu.memory_space<vmem>> -> memref<128xi32, #tpu.memory_space<vmem>>
    %dma_start3A_6 = arith.constant 0 : i32
    %dma_start3A_7 = arith.constant 0 : i32
    %dma_start3A_8 = tpu.memref_slice %arg2[%dma_start3A_6, %dma_start3A_7] : memref<8192x256xf32, #tpu.memory_space<hbm>> -> memref<8192x256xf32, #tpu.memory_space<hbm>>
    tpu.enqueue_indirect_dma source(%dma_start3A_8 : memref<8192x256xf32, #tpu.memory_space<hbm>>) target(%arg6 : memref<128x256xf32, #tpu.memory_space<vmem>>) offsets(%dma_start3A_5 : memref<128xi32, #tpu.memory_space<vmem>>) semaphore(%arg7 : memref<!tpu.dma_semaphore, #tpu.memory_space<semaphore_mem>>)
    %dma_wait3A = arith.constant 0 : i32
    %dma_wait3A_9 = arith.constant 0 : i32
    %dma_wait3A_10 = tpu.memref_slice %arg5[%dma_wait3A, %dma_wait3A_9] : memref<4x128xi32, #tpu.memory_space<vmem>> -> memref<1x128xi32, #tpu.memory_space<vmem>>
    %dma_wait3A_11 = tpu.memref_squeeze %dma_wait3A_10 : memref<1x128xi32, #tpu.memory_space<vmem>> -> memref<128xi32, #tpu.memory_space<vmem>>
    %dma_wait3A_12 = arith.constant 0 : i32
    %dma_wait3A_13 = arith.constant 0 : i32
    %dma_wait3A_14 = tpu.memref_slice %arg2[%dma_wait3A_12, %dma_wait3A_13] : memref<8192x256xf32, #tpu.memory_space<hbm>> -> memref<8192x256xf32, #tpu.memory_space<hbm>>
    tpu.wait_indirect_dma semaphore(%arg7 : memref<!tpu.dma_semaphore, #tpu.memory_space<semaphore_mem>>) src(%dma_wait3A_14 : memref<8192x256xf32, #tpu.memory_space<hbm>>) dst(%arg6 : memref<128x256xf32, #tpu.memory_space<vmem>>)
    %add3A_15 = arith.constant 0 : i32
    %add3A_16 = arith.addi %mul3A_2, %add3A_15 : i32
    "tpu.region"() ({
      %run_scoped3A = tpu.sem_alloc : memref<!tpu.dma_semaphore, #tpu.memory_space<semaphore_mem>>
      %dma_start3A_65 = arith.constant 0 : i32
      %dma_start3A_66 = tpu.memref_slice %arg4[%add3A_16, %dma_start3A_65] : memref<16384x256xf32, #tpu.memory_space<hbm>> -> memref<128x256xf32, #tpu.memory_space<hbm>>
      %dma_start3A_67 = arith.constant 0 : i32
      %dma_start3A_68 = tpu.memref_slice %arg4[%add3A_16, %dma_start3A_67] : memref<16384x256xf32, #tpu.memory_space<hbm>> -> memref<128x256xf32, #tpu.memory_space<hbm>>
      tpu.enqueue_dma source(%arg6 : memref<128x256xf32, #tpu.memory_space<vmem>>) target(%dma_start3A_68 : memref<128x256xf32, #tpu.memory_space<hbm>>) target_semaphore(%run_scoped3A : memref<!tpu.dma_semaphore, #tpu.memory_space<semaphore_mem>>)
      %dma_wait3A_69 = arith.constant 0 : i32
      %dma_wait3A_70 = tpu.memref_slice %arg4[%add3A_16, %dma_wait3A_69] : memref<16384x256xf32, #tpu.memory_space<hbm>> -> memref<128x256xf32, #tpu.memory_space<hbm>>
      %dma_wait3A_71 = arith.constant 0 : i32
      %dma_wait3A_72 = tpu.memref_slice %arg4[%add3A_16, %dma_wait3A_71] : memref<16384x256xf32, #tpu.memory_space<hbm>> -> memref<128x256xf32, #tpu.memory_space<hbm>>
      tpu.wait_dma2 semaphore(%run_scoped3A : memref<!tpu.dma_semaphore, #tpu.memory_space<semaphore_mem>>) src(%arg6 : memref<128x256xf32, #tpu.memory_space<vmem>>) dst(%dma_wait3A_72 : memref<128x256xf32, #tpu.memory_space<hbm>>)
      tpu.yield
    }) : () -> ()
    %dma_start3A_17 = arith.constant 1 : i32
    %dma_start3A_18 = arith.constant 0 : i32
    %dma_start3A_19 = tpu.memref_slice %arg5[%dma_start3A_17, %dma_start3A_18] : memref<4x128xi32, #tpu.memory_space<vmem>> -> memref<1x128xi32, #tpu.memory_space<vmem>>
    %dma_start3A_20 = tpu.memref_squeeze %dma_start3A_19 : memref<1x128xi32, #tpu.memory_space<vmem>> -> memref<128xi32, #tpu.memory_space<vmem>>
    %dma_start3A_21 = arith.constant 0 : i32
    %dma_start3A_22 = arith.constant 0 : i32
    %dma_start3A_23 = tpu.memref_slice %arg2[%dma_start3A_21, %dma_start3A_22] : memref<8192x256xf32, #tpu.memory_space<hbm>> -> memref<8192x256xf32, #tpu.memory_space<hbm>>
    tpu.enqueue_indirect_dma source(%dma_start3A_23 : memref<8192x256xf32, #tpu.memory_space<hbm>>) target(%arg6 : memref<128x256xf32, #tpu.memory_space<vmem>>) offsets(%dma_start3A_20 : memref<128xi32, #tpu.memory_space<vmem>>) semaphore(%arg7 : memref<!tpu.dma_semaphore, #tpu.memory_space<semaphore_mem>>)
    %dma_wait3A_24 = arith.constant 1 : i32
    %dma_wait3A_25 = arith.constant 0 : i32
    %dma_wait3A_26 = tpu.memref_slice %arg5[%dma_wait3A_24, %dma_wait3A_25] : memref<4x128xi32, #tpu.memory_space<vmem>> -> memref<1x128xi32, #tpu.memory_space<vmem>>
    %dma_wait3A_27 = tpu.memref_squeeze %dma_wait3A_26 : memref<1x128xi32, #tpu.memory_space<vmem>> -> memref<128xi32, #tpu.memory_space<vmem>>
    %dma_wait3A_28 = arith.constant 0 : i32
    %dma_wait3A_29 = arith.constant 0 : i32
    %dma_wait3A_30 = tpu.memref_slice %arg2[%dma_wait3A_28, %dma_wait3A_29] : memref<8192x256xf32, #tpu.memory_space<hbm>> -> memref<8192x256xf32, #tpu.memory_space<hbm>>
    tpu.wait_indirect_dma semaphore(%arg7 : memref<!tpu.dma_semaphore, #tpu.memory_space<semaphore_mem>>) src(%dma_wait3A_30 : memref<8192x256xf32, #tpu.memory_space<hbm>>) dst(%arg6 : memref<128x256xf32, #tpu.memory_space<vmem>>)
    %add3A_31 = arith.constant 128 : i32
    %add3A_32 = arith.addi %mul3A_2, %add3A_31 : i32
    "tpu.region"() ({
      %run_scoped3A = tpu.sem_alloc : memref<!tpu.dma_semaphore, #tpu.memory_space<semaphore_mem>>
      %dma_start3A_65 = arith.constant 0 : i32
      %dma_start3A_66 = tpu.memref_slice %arg4[%add3A_32, %dma_start3A_65] : memref<16384x256xf32, #tpu.memory_space<hbm>> -> memref<128x256xf32, #tpu.memory_space<hbm>>
      %dma_start3A_67 = arith.constant 0 : i32
      %dma_start3A_68 = tpu.memref_slice %arg4[%add3A_32, %dma_start3A_67] : memref<16384x256xf32, #tpu.memory_space<hbm>> -> memref<128x256xf32, #tpu.memory_space<hbm>>
      tpu.enqueue_dma source(%arg6 : memref<128x256xf32, #tpu.memory_space<vmem>>) target(%dma_start3A_68 : memref<128x256xf32, #tpu.memory_space<hbm>>) target_semaphore(%run_scoped3A : memref<!tpu.dma_semaphore, #tpu.memory_space<semaphore_mem>>)
      %dma_wait3A_69 = arith.constant 0 : i32
      %dma_wait3A_70 = tpu.memref_slice %arg4[%add3A_32, %dma_wait3A_69] : memref<16384x256xf32, #tpu.memory_space<hbm>> -> memref<128x256xf32, #tpu.memory_space<hbm>>
      %dma_wait3A_71 = arith.constant 0 : i32
      %dma_wait3A_72 = tpu.memref_slice %arg4[%add3A_32, %dma_wait3A_71] : memref<16384x256xf32, #tpu.memory_space<hbm>> -> memref<128x256xf32, #tpu.memory_space<hbm>>
      tpu.wait_dma2 semaphore(%run_scoped3A : memref<!tpu.dma_semaphore, #tpu.memory_space<semaphore_mem>>) src(%arg6 : memref<128x256xf32, #tpu.memory_space<vmem>>) dst(%dma_wait3A_72 : memref<128x256xf32, #tpu.memory_space<hbm>>)
      tpu.yield
    }) : () -> ()
    %dma_start3A_33 = arith.constant 2 : i32
    %dma_start3A_34 = arith.constant 0 : i32
    %dma_start3A_35 = tpu.memref_slice %arg5[%dma_start3A_33, %dma_start3A_34] : memref<4x128xi32, #tpu.memory_space<vmem>> -> memref<1x128xi32, #tpu.memory_space<vmem>>
    %dma_start3A_36 = tpu.memref_squeeze %dma_start3A_35 : memref<1x128xi32, #tpu.memory_space<vmem>> -> memref<128xi32, #tpu.memory_space<vmem>>
    %dma_start3A_37 = arith.constant 0 : i32
    %dma_start3A_38 = arith.constant 0 : i32
    %dma_start3A_39 = tpu.memref_slice %arg2[%dma_start3A_37, %dma_start3A_38] : memref<8192x256xf32, #tpu.memory_space<hbm>> -> memref<8192x256xf32, #tpu.memory_space<hbm>>
    tpu.enqueue_indirect_dma source(%dma_start3A_39 : memref<8192x256xf32, #tpu.memory_space<hbm>>) target(%arg6 : memref<128x256xf32, #tpu.memory_space<vmem>>) offsets(%dma_start3A_36 : memref<128xi32, #tpu.memory_space<vmem>>) semaphore(%arg7 : memref<!tpu.dma_semaphore, #tpu.memory_space<semaphore_mem>>)
    %dma_wait3A_40 = arith.constant 2 : i32
    %dma_wait3A_41 = arith.constant 0 : i32
    %dma_wait3A_42 = tpu.memref_slice %arg5[%dma_wait3A_40, %dma_wait3A_41] : memref<4x128xi32, #tpu.memory_space<vmem>> -> memref<1x128xi32, #tpu.memory_space<vmem>>
    %dma_wait3A_43 = tpu.memref_squeeze %dma_wait3A_42 : memref<1x128xi32, #tpu.memory_space<vmem>> -> memref<128xi32, #tpu.memory_space<vmem>>
    %dma_wait3A_44 = arith.constant 0 : i32
    %dma_wait3A_45 = arith.constant 0 : i32
    %dma_wait3A_46 = tpu.memref_slice %arg2[%dma_wait3A_44, %dma_wait3A_45] : memref<8192x256xf32, #tpu.memory_space<hbm>> -> memref<8192x256xf32, #tpu.memory_space<hbm>>
    tpu.wait_indirect_dma semaphore(%arg7 : memref<!tpu.dma_semaphore, #tpu.memory_space<semaphore_mem>>) src(%dma_wait3A_46 : memref<8192x256xf32, #tpu.memory_space<hbm>>) dst(%arg6 : memref<128x256xf32, #tpu.memory_space<vmem>>)
    %add3A_47 = arith.constant 256 : i32
    %add3A_48 = arith.addi %mul3A_2, %add3A_47 : i32
    "tpu.region"() ({
      %run_scoped3A = tpu.sem_alloc : memref<!tpu.dma_semaphore, #tpu.memory_space<semaphore_mem>>
      %dma_start3A_65 = arith.constant 0 : i32
      %dma_start3A_66 = tpu.memref_slice %arg4[%add3A_48, %dma_start3A_65] : memref<16384x256xf32, #tpu.memory_space<hbm>> -> memref<128x256xf32, #tpu.memory_space<hbm>>
      %dma_start3A_67 = arith.constant 0 : i32
      %dma_start3A_68 = tpu.memref_slice %arg4[%add3A_48, %dma_start3A_67] : memref<16384x256xf32, #tpu.memory_space<hbm>> -> memref<128x256xf32, #tpu.memory_space<hbm>>
      tpu.enqueue_dma source(%arg6 : memref<128x256xf32, #tpu.memory_space<vmem>>) target(%dma_start3A_68 : memref<128x256xf32, #tpu.memory_space<hbm>>) target_semaphore(%run_scoped3A : memref<!tpu.dma_semaphore, #tpu.memory_space<semaphore_mem>>)
      %dma_wait3A_69 = arith.constant 0 : i32
      %dma_wait3A_70 = tpu.memref_slice %arg4[%add3A_48, %dma_wait3A_69] : memref<16384x256xf32, #tpu.memory_space<hbm>> -> memref<128x256xf32, #tpu.memory_space<hbm>>
      %dma_wait3A_71 = arith.constant 0 : i32
      %dma_wait3A_72 = tpu.memref_slice %arg4[%add3A_48, %dma_wait3A_71] : memref<16384x256xf32, #tpu.memory_space<hbm>> -> memref<128x256xf32, #tpu.memory_space<hbm>>
      tpu.wait_dma2 semaphore(%run_scoped3A : memref<!tpu.dma_semaphore, #tpu.memory_space<semaphore_mem>>) src(%arg6 : memref<128x256xf32, #tpu.memory_space<vmem>>) dst(%dma_wait3A_72 : memref<128x256xf32, #tpu.memory_space<hbm>>)
      tpu.yield
    }) : () -> ()
    %dma_start3A_49 = arith.constant 3 : i32
    %dma_start3A_50 = arith.constant 0 : i32
    %dma_start3A_51 = tpu.memref_slice %arg5[%dma_start3A_49, %dma_start3A_50] : memref<4x128xi32, #tpu.memory_space<vmem>> -> memref<1x128xi32, #tpu.memory_space<vmem>>
    %dma_start3A_52 = tpu.memref_squeeze %dma_start3A_51 : memref<1x128xi32, #tpu.memory_space<vmem>> -> memref<128xi32, #tpu.memory_space<vmem>>
    %dma_start3A_53 = arith.constant 0 : i32
    %dma_start3A_54 = arith.constant 0 : i32
    %dma_start3A_55 = tpu.memref_slice %arg2[%dma_start3A_53, %dma_start3A_54] : memref<8192x256xf32, #tpu.memory_space<hbm>> -> memref<8192x256xf32, #tpu.memory_space<hbm>>
    tpu.enqueue_indirect_dma source(%dma_start3A_55 : memref<8192x256xf32, #tpu.memory_space<hbm>>) target(%arg6 : memref<128x256xf32, #tpu.memory_space<vmem>>) offsets(%dma_start3A_52 : memref<128xi32, #tpu.memory_space<vmem>>) semaphore(%arg7 : memref<!tpu.dma_semaphore, #tpu.memory_space<semaphore_mem>>)
    %dma_wait3A_56 = arith.constant 3 : i32
    %dma_wait3A_57 = arith.constant 0 : i32
    %dma_wait3A_58 = tpu.memref_slice %arg5[%dma_wait3A_56, %dma_wait3A_57] : memref<4x128xi32, #tpu.memory_space<vmem>> -> memref<1x128xi32, #tpu.memory_space<vmem>>
    %dma_wait3A_59 = tpu.memref_squeeze %dma_wait3A_58 : memref<1x128xi32, #tpu.memory_space<vmem>> -> memref<128xi32, #tpu.memory_space<vmem>>
    %dma_wait3A_60 = arith.constant 0 : i32
    %dma_wait3A_61 = arith.constant 0 : i32
    %dma_wait3A_62 = tpu.memref_slice %arg2[%dma_wait3A_60, %dma_wait3A_61] : memref<8192x256xf32, #tpu.memory_space<hbm>> -> memref<8192x256xf32, #tpu.memory_space<hbm>>
    tpu.wait_indirect_dma semaphore(%arg7 : memref<!tpu.dma_semaphore, #tpu.memory_space<semaphore_mem>>) src(%dma_wait3A_62 : memref<8192x256xf32, #tpu.memory_space<hbm>>) dst(%arg6 : memref<128x256xf32, #tpu.memory_space<vmem>>)
    %add3A_63 = arith.constant 384 : i32
    %add3A_64 = arith.addi %mul3A_2, %add3A_63 : i32
    "tpu.region"() ({
      %run_scoped3A = tpu.sem_alloc : memref<!tpu.dma_semaphore, #tpu.memory_space<semaphore_mem>>
      %dma_start3A_65 = arith.constant 0 : i32
      %dma_start3A_66 = tpu.memref_slice %arg4[%add3A_64, %dma_start3A_65] : memref<16384x256xf32, #tpu.memory_space<hbm>> -> memref<128x256xf32, #tpu.memory_space<hbm>>
      %dma_start3A_67 = arith.constant 0 : i32
      %dma_start3A_68 = tpu.memref_slice %arg4[%add3A_64, %dma_start3A_67] : memref<16384x256xf32, #tpu.memory_space<hbm>> -> memref<128x256xf32, #tpu.memory_space<hbm>>
      tpu.enqueue_dma source(%arg6 : memref<128x256xf32, #tpu.memory_space<vmem>>) target(%dma_start3A_68 : memref<128x256xf32, #tpu.memory_space<hbm>>) target_semaphore(%run_scoped3A : memref<!tpu.dma_semaphore, #tpu.memory_space<semaphore_mem>>)
      %dma_wait3A_69 = arith.constant 0 : i32
      %dma_wait3A_70 = tpu.memref_slice %arg4[%add3A_64, %dma_wait3A_69] : memref<16384x256xf32, #tpu.memory_space<hbm>> -> memref<128x256xf32, #tpu.memory_space<hbm>>
      %dma_wait3A_71 = arith.constant 0 : i32
      %dma_wait3A_72 = tpu.memref_slice %arg4[%add3A_64, %dma_wait3A_71] : memref<16384x256xf32, #tpu.memory_space<hbm>> -> memref<128x256xf32, #tpu.memory_space<hbm>>
      tpu.wait_dma2 semaphore(%run_scoped3A : memref<!tpu.dma_semaphore, #tpu.memory_space<semaphore_mem>>) src(%arg6 : memref<128x256xf32, #tpu.memory_space<vmem>>) dst(%dma_wait3A_72 : memref<128x256xf32, #tpu.memory_space<hbm>>)
      tpu.yield
    }) : () -> ()
    return
  }
}

module attributes {stable_mosaic.version = 14 : i64} {
  func.func @_dist_argmin_body(%arg0: i32, %arg1: i32, %arg2: memref<1x256x1024xf32, #tpu.memory_space<vmem>>, %arg3: memref<1024x256xf32, #tpu.memory_space<vmem>>, %arg4: memref<1x1x1024xf32, #tpu.memory_space<vmem>>, %arg5: memref<1024x1xf32, #tpu.memory_space<vmem>>, %arg6: memref<1x1x1024xi32, #tpu.memory_space<vmem>>, %arg7: memref<1x1x1024xf32, #tpu.memory_space<vmem>>, %arg8: memref<1x1xf32, #tpu.memory_space<smem>>, %arg9: memref<8x1024xbf16, #tpu.memory_space<vmem>>, %arg10: memref<8x1024xi32, #tpu.memory_space<vmem>>) attributes {dimension_semantics = [#tpu.dimension_semantics<arbitrary>, #tpu.dimension_semantics<arbitrary>], iteration_bounds = array<i64: 16, 8>, scalar_prefetch = 0 : i64, scratch_operands = 2 : i64, tpu.core_type = #tpu.core_type<tc>, window_params = [{transform_indices = @transform_0, window_bounds = array<i64: 1, 256, 1024>}, {transform_indices = @transform_1, window_bounds = array<i64: 1024, 256>}, {transform_indices = @transform_2, window_bounds = array<i64: 1, 1, 1024>}, {transform_indices = @transform_3, window_bounds = array<i64: 1024, 1>}, {transform_indices = @transform_4, window_bounds = array<i64: 1, 1, 1024>}, {transform_indices = @transform_5, window_bounds = array<i64: 1, 1, 1024>}, {transform_indices = @transform_6, window_bounds = array<i64: 1, 1>}]} {
    %get3A = arith.constant 0 : index
    %get3A_0 = arith.constant 0 : index
    %get3A_1 = arith.constant 0 : index
    %get3A_2 = vector.load %arg2[%get3A, %get3A_0, %get3A_1] : memref<1x256x1024xf32, #tpu.memory_space<vmem>>, vector<1x256x1024xf32>
    %get3A_3 = vector.shape_cast %get3A_2 : vector<1x256x1024xf32> to vector<256x1024xf32>
    %get3A_4 = arith.constant 0 : index
    %get3A_5 = arith.constant 0 : index
    %get3A_6 = vector.load %arg3[%get3A_4, %get3A_5] : memref<1024x256xf32, #tpu.memory_space<vmem>>, vector<1024x256xf32>
    %mul3A = arith.constant 2.000000e+00 : f32
    %mul3A_7 = vector.broadcast %mul3A : f32 to vector<256x1024xf32>
    %mul3A_8 = arith.mulf %mul3A_7, %get3A_3 : vector<256x1024xf32>
    %convert_element_type3A = arith.truncf %mul3A_8 : vector<256x1024xf32> to vector<256x1024xbf16>
    %convert_element_type3A_9 = arith.truncf %get3A_6 : vector<1024x256xf32> to vector<1024x256xbf16>
    %dot_general3A = arith.constant dense<0.000000e+00> : vector<1024x1024xf32>
    %dot_general3A_10 = tpu.matmul %convert_element_type3A_9, %convert_element_type3A, %dot_general3A {dimension_numbers = #tpu.dot_dimension_numbers<[1], [0], [0], [1], [0, 0, 1, 1], [], []>, transpose_lhs_hint = false} : vector<1024x256xbf16>, vector<256x1024xbf16>, vector<1024x1024xf32> -> vector<1024x1024xf32>
    %get3A_11 = arith.constant 0 : index
    %get3A_12 = arith.constant 0 : index
    %get3A_13 = arith.constant 0 : index
    %get3A_14 = vector.load %arg4[%get3A_11, %get3A_12, %get3A_13] : memref<1x1x1024xf32, #tpu.memory_space<vmem>>, vector<1x1x1024xf32>
    %get3A_15 = vector.shape_cast %get3A_14 : vector<1x1x1024xf32> to vector<1x1024xf32>
    %get3A_16 = arith.constant 0 : index
    %get3A_17 = arith.constant 0 : index
    %get3A_18 = vector.load %arg5[%get3A_16, %get3A_17] : memref<1024x1xf32, #tpu.memory_space<vmem>>, vector<1024x1xf32>
    %sub3A = vector.broadcast %get3A_15 : vector<1x1024xf32> to vector<1024x1024xf32>
    %sub3A_19 = arith.subf %sub3A, %dot_general3A_10 : vector<1024x1024xf32>
    %add3A = vector.broadcast %get3A_18 : vector<1024x1xf32> to vector<1024x1024xf32>
    %add3A_20 = arith.addf %sub3A_19, %add3A : vector<1024x1024xf32>
    %max3A = arith.constant 0.000000e+00 : f32
    %max3A_21 = vector.broadcast %max3A : f32 to vector<1024x1024xf32>
    %max3A_22 = arith.maximumf %add3A_20, %max3A_21 : vector<1024x1024xf32>
    %sqrt3A = math.sqrt %max3A_22 : vector<1024x1024xf32>
    %reduce_min3A = arith.constant dense<0x7F800000> : vector<1024xf32>
    %reduce_min3A_23 = vector.multi_reduction <minimumf>, %sqrt3A, %reduce_min3A [0] : vector<1024x1024xf32> to vector<1024xf32>
    %broadcast_in_dim3A = vector.shape_cast %reduce_min3A_23 : vector<1024xf32> to vector<1x1024xf32>
    %iota3A = tpu.iota {dimensions = array<i32: 0>} : vector<1024x1024xi32>
    %eq3A = vector.broadcast %broadcast_in_dim3A : vector<1x1024xf32> to vector<1024x1024xf32>
    %eq3A_24 = arith.cmpf oeq, %sqrt3A, %eq3A : vector<1024x1024xf32>
    %jit3A = arith.constant 1024 : i32
    %broadcast_in_dim3A_25 = vector.broadcast %jit3A : i32 to vector<1024x1024xi32>
    %select_n3A = arith.select %eq3A_24, %iota3A, %broadcast_in_dim3A_25 : vector<1024x1024xi1>, vector<1024x1024xi32>
    %reduce_min3A_26 = arith.constant dense<2147483647> : vector<1024xi32>
    %reduce_min3A_27 = vector.multi_reduction <minsi>, %select_n3A, %reduce_min3A_26 [0] : vector<1024x1024xi32> to vector<1024xi32>
    %mul3A_28 = arith.constant 1024 : i32
    %mul3A_29 = arith.muli %arg1, %mul3A_28 : i32
    %add3A_30 = vector.broadcast %mul3A_29 : i32 to vector<1024xi32>
    %add3A_31 = arith.addi %reduce_min3A_27, %add3A_30 : vector<1024xi32>
    %eq3A_32 = arith.constant 0 : i32
    %eq3A_33 = arith.cmpi eq, %arg1, %eq3A_32 : i32
    %convert_element_type3A_34 = arith.extui %eq3A_33 : i1 to i32
    %cond3A = arith.constant 0 : i32
    %cond3A_35 = arith.cmpi ne, %convert_element_type3A_34, %cond3A : i32
    scf.if %cond3A_35 {
      %squeeze3A = vector.shape_cast %broadcast_in_dim3A : vector<1x1024xf32> to vector<1024xf32>
      %convert_element_type3A_52 = arith.truncf %squeeze3A : vector<1024xf32> to vector<1024xbf16>
      %swap3A = arith.constant 0 : index
      %swap3A_53 = arith.constant 0 : index
      %swap3A_54 = vector.load %arg9[%swap3A, %swap3A_53] : memref<8x1024xbf16, #tpu.memory_space<vmem>>, vector<1x1024xbf16>
      %swap3A_55 = vector.shape_cast %swap3A_54 : vector<1x1024xbf16> to vector<1024xbf16>
      %swap3A_56 = vector.shape_cast %convert_element_type3A_52 : vector<1024xbf16> to vector<1x1024xbf16>
      tpu.vector_store %arg9[%swap3A, %swap3A_53], %swap3A_56 {strides = array<i32>} : memref<8x1024xbf16, #tpu.memory_space<vmem>>, vector<1x1024xbf16>,
      %swap3A_57 = arith.constant 0 : index
      %swap3A_58 = arith.constant 0 : index
      %swap3A_59 = vector.load %arg10[%swap3A_57, %swap3A_58] : memref<8x1024xi32, #tpu.memory_space<vmem>>, vector<1x1024xi32>
      %swap3A_60 = vector.shape_cast %swap3A_59 : vector<1x1024xi32> to vector<1024xi32>
      %swap3A_61 = vector.shape_cast %add3A_31 : vector<1024xi32> to vector<1x1024xi32>
      tpu.vector_store %arg10[%swap3A_57, %swap3A_58], %swap3A_61 {strides = array<i32>} : memref<8x1024xi32, #tpu.memory_space<vmem>>, vector<1x1024xi32>,
    } else {
    }
    %gt3A = arith.constant 0 : i32
    %gt3A_36 = arith.cmpi sgt, %arg1, %gt3A : i32
    %convert_element_type3A_37 = arith.extui %gt3A_36 : i1 to i32
    %cond3A_38 = arith.constant 0 : i32
    %cond3A_39 = arith.cmpi ne, %convert_element_type3A_37, %cond3A_38 : i32
    scf.if %cond3A_39 {
      %get3A_52 = arith.constant 0 : index
      %get3A_53 = arith.constant 0 : index
      %get3A_54 = vector.load %arg9[%get3A_52, %get3A_53] : memref<8x1024xbf16, #tpu.memory_space<vmem>>, vector<1x1024xbf16>
      %get3A_55 = vector.shape_cast %get3A_54 : vector<1x1024xbf16> to vector<1024xbf16>
      %convert_element_type3A_56 = arith.extf %get3A_55 : vector<1024xbf16> to vector<1024xf32>
      %squeeze3A = vector.shape_cast %broadcast_in_dim3A : vector<1x1024xf32> to vector<1024xf32>
      %lt3A = arith.cmpf olt, %squeeze3A, %convert_element_type3A_56 : vector<1024xf32>
      %squeeze3A_57 = vector.shape_cast %broadcast_in_dim3A : vector<1x1024xf32> to vector<1024xf32>
      %select_n3A_58 = arith.select %lt3A, %squeeze3A_57, %convert_element_type3A_56 : vector<1024xi1>, vector<1024xf32>
      %convert_element_type3A_59 = arith.truncf %select_n3A_58 : vector<1024xf32> to vector<1024xbf16>
      %swap3A = arith.constant 0 : index
      %swap3A_60 = arith.constant 0 : index
      %swap3A_61 = vector.load %arg9[%swap3A, %swap3A_60] : memref<8x1024xbf16, #tpu.memory_space<vmem>>, vector<1x1024xbf16>
      %swap3A_62 = vector.shape_cast %swap3A_61 : vector<1x1024xbf16> to vector<1024xbf16>
      %swap3A_63 = vector.shape_cast %convert_element_type3A_59 : vector<1024xbf16> to vector<1x1024xbf16>
      tpu.vector_store %arg9[%swap3A, %swap3A_60], %swap3A_63 {strides = array<i32>} : memref<8x1024xbf16, #tpu.memory_space<vmem>>, vector<1x1024xbf16>,
      %get3A_64 = arith.constant 0 : index
      %get3A_65 = arith.constant 0 : index
      %get3A_66 = vector.load %arg10[%get3A_64, %get3A_65] : memref<8x1024xi32, #tpu.memory_space<vmem>>, vector<1x1024xi32>
      %get3A_67 = vector.shape_cast %get3A_66 : vector<1x1024xi32> to vector<1024xi32>
      %select_n3A_68 = arith.select %lt3A, %add3A_31, %get3A_67 : vector<1024xi1>, vector<1024xi32>
      %swap3A_69 = arith.constant 0 : index
      %swap3A_70 = arith.constant 0 : index
      %swap3A_71 = vector.load %arg10[%swap3A_69, %swap3A_70] : memref<8x1024xi32, #tpu.memory_space<vmem>>, vector<1x1024xi32>
      %swap3A_72 = vector.shape_cast %swap3A_71 : vector<1x1024xi32> to vector<1024xi32>
      %swap3A_73 = vector.shape_cast %select_n3A_68 : vector<1024xi32> to vector<1x1024xi32>
      tpu.vector_store %arg10[%swap3A_69, %swap3A_70], %swap3A_73 {strides = array<i32>} : memref<8x1024xi32, #tpu.memory_space<vmem>>, vector<1x1024xi32>,
    } else {
    }
    %eq3A_40 = arith.constant 0 : i32
    %eq3A_41 = arith.cmpi eq, %arg0, %eq3A_40 : i32
    %eq3A_42 = arith.constant 0 : i32
    %eq3A_43 = arith.cmpi eq, %arg1, %eq3A_42 : i32
    %and3A = arith.andi %eq3A_41, %eq3A_43 : i1
    %convert_element_type3A_44 = arith.extui %and3A : i1 to i32
    %cond3A_45 = arith.constant 0 : i32
    %cond3A_46 = arith.cmpi ne, %convert_element_type3A_44, %cond3A_45 : i32
    scf.if %cond3A_46 {
      %swap3A = arith.constant 0.000000e+00 : f32
      %swap3A_52 = arith.constant 0 : index
      %swap3A_53 = arith.constant 0 : index
      %swap3A_54 = memref.load %arg8[%swap3A_52, %swap3A_53] : memref<1x1xf32, #tpu.memory_space<smem>>
      memref.store %swap3A, %arg8[%swap3A_52, %swap3A_53] : memref<1x1xf32, #tpu.memory_space<smem>>
    } else {
    }
    %eq3A_47 = arith.constant 7 : i32
    %eq3A_48 = arith.cmpi eq, %arg1, %eq3A_47 : i32
    %convert_element_type3A_49 = arith.extui %eq3A_48 : i1 to i32
    %cond3A_50 = arith.constant 0 : i32
    %cond3A_51 = arith.cmpi ne, %convert_element_type3A_49, %cond3A_50 : i32
    scf.if %cond3A_51 {
      %get3A_52 = arith.constant 0 : index
      %get3A_53 = arith.constant 0 : index
      %get3A_54 = vector.load %arg9[%get3A_52, %get3A_53] : memref<8x1024xbf16, #tpu.memory_space<vmem>>, vector<1x1024xbf16>
      %get3A_55 = vector.shape_cast %get3A_54 : vector<1x1024xbf16> to vector<1024xbf16>
      %convert_element_type3A_56 = arith.extf %get3A_55 : vector<1024xbf16> to vector<1024xf32>
      %swap3A = arith.constant 0 : index
      %swap3A_57 = arith.constant 0 : index
      %swap3A_58 = arith.constant 0 : index
      %swap3A_59 = vector.load %arg7[%swap3A, %swap3A_57, %swap3A_58] : memref<1x1x1024xf32, #tpu.memory_space<vmem>>, vector<1x1x1024xf32>
      %swap3A_60 = vector.shape_cast %swap3A_59 : vector<1x1x1024xf32> to vector<1024xf32>
      %swap3A_61 = vector.shape_cast %convert_element_type3A_56 : vector<1024xf32> to vector<1x1x1024xf32>
      tpu.vector_store %arg7[%swap3A, %swap3A_57, %swap3A_58], %swap3A_61 {strides = array<i32>} : memref<1x1x1024xf32, #tpu.memory_space<vmem>>, vector<1x1x1024xf32>,
      %get3A_62 = arith.constant 0 : index
      %get3A_63 = arith.constant 0 : index
      %get3A_64 = vector.load %arg10[%get3A_62, %get3A_63] : memref<8x1024xi32, #tpu.memory_space<vmem>>, vector<1x1024xi32>
      %get3A_65 = vector.shape_cast %get3A_64 : vector<1x1024xi32> to vector<1024xi32>
      %swap3A_66 = arith.constant 0 : index
      %swap3A_67 = arith.constant 0 : index
      %swap3A_68 = arith.constant 0 : index
      %swap3A_69 = vector.load %arg6[%swap3A_66, %swap3A_67, %swap3A_68] : memref<1x1x1024xi32, #tpu.memory_space<vmem>>, vector<1x1x1024xi32>
      %swap3A_70 = vector.shape_cast %swap3A_69 : vector<1x1x1024xi32> to vector<1024xi32>
      %swap3A_71 = vector.shape_cast %get3A_65 : vector<1024xi32> to vector<1x1x1024xi32>
      tpu.vector_store %arg6[%swap3A_66, %swap3A_67, %swap3A_68], %swap3A_71 {strides = array<i32>} : memref<1x1x1024xi32, #tpu.memory_space<vmem>>, vector<1x1x1024xi32>,
      %mul3A_72 = arith.mulf %convert_element_type3A_56, %convert_element_type3A_56 : vector<1024xf32>
      %reduce_sum3A = vector.shape_cast %mul3A_72 : vector<1024xf32> to vector<1x1024xf32>
      %reduce_sum3A_73 = arith.constant dense<0.000000e+00> : vector<1xf32>
      %reduce_sum3A_74 = vector.multi_reduction <add>, %reduce_sum3A, %reduce_sum3A_73 [1] : vector<1x1024xf32> to vector<1xf32>
      %reduce_sum3A_75 = vector.shape_cast %reduce_sum3A_74 : vector<1xf32> to vector<1x1xf32>
      %reduce_sum3A_76 = vector.extract %reduce_sum3A_75[0, 0] : f32 from vector<1x1xf32>
      %eq3A_77 = arith.constant 15 : i32
      %eq3A_78 = arith.cmpi eq, %arg0, %eq3A_77 : i32
      %convert_element_type3A_79 = arith.extui %eq3A_78 : i1 to i32
      %cond3A_80 = arith.constant 0 : i32
      %cond3A_81 = arith.cmpi ne, %convert_element_type3A_79, %cond3A_80 : i32
      scf.if %cond3A_81 {
        %get3A_86 = arith.constant 0 : index
        %get3A_87 = arith.constant 0 : index
        %get3A_88 = memref.load %arg8[%get3A_86, %get3A_87] : memref<1x1xf32, #tpu.memory_space<smem>>
        %add3A_89 = arith.addf %get3A_88, %reduce_sum3A_76 : f32
        %mul3A_90 = arith.constant 5.96046448E-8 : f32
        %mul3A_91 = arith.mulf %add3A_89, %mul3A_90 : f32
        %swap3A_92 = arith.constant 0 : index
        %swap3A_93 = arith.constant 0 : index
        %swap3A_94 = memref.load %arg8[%swap3A_92, %swap3A_93] : memref<1x1xf32, #tpu.memory_space<smem>>
        memref.store %mul3A_91, %arg8[%swap3A_92, %swap3A_93] : memref<1x1xf32, #tpu.memory_space<smem>>
      } else {
      }
      %lt3A = arith.constant 15 : i32
      %lt3A_82 = arith.cmpi slt, %arg0, %lt3A : i32
      %convert_element_type3A_83 = arith.extui %lt3A_82 : i1 to i32
      %cond3A_84 = arith.constant 0 : i32
      %cond3A_85 = arith.cmpi ne, %convert_element_type3A_83, %cond3A_84 : i32
      scf.if %cond3A_85 {
        %get3A_86 = arith.constant 0 : index
        %get3A_87 = arith.constant 0 : index
        %get3A_88 = memref.load %arg8[%get3A_86, %get3A_87] : memref<1x1xf32, #tpu.memory_space<smem>>
        %add3A_89 = arith.addf %get3A_88, %reduce_sum3A_76 : f32
        %swap3A_90 = arith.constant 0 : index
        %swap3A_91 = arith.constant 0 : index
        %swap3A_92 = memref.load %arg8[%swap3A_90, %swap3A_91] : memref<1x1xf32, #tpu.memory_space<smem>>
        memref.store %add3A_89, %arg8[%swap3A_90, %swap3A_91] : memref<1x1xf32, #tpu.memory_space<smem>>
      } else {
      }
    } else {
    }
    return
  }
  func.func @transform_0(%arg0: i32, %arg1: i32) -> (i32, i32, i32) {
    %c0_i32 = arith.constant 0 : i32
    %c0_i32_0 = arith.constant 0 : i32
    %c0_i32_1 = arith.constant 0 : i32
    return %arg0, %c0_i32, %c0_i32_0 : i32, i32, i32
  }
  func.func @transform_1(%arg0: i32, %arg1: i32) -> (i32, i32) {
    %c0_i32 = arith.constant 0 : i32
    %c0_i32_0 = arith.constant 0 : i32
    return %arg1, %c0_i32 : i32, i32
  }
  func.func @transform_2(%arg0: i32, %arg1: i32) -> (i32, i32, i32) {
    %c0_i32 = arith.constant 0 : i32
    %c0_i32_0 = arith.constant 0 : i32
    %c0_i32_1 = arith.constant 0 : i32
    return %arg0, %c0_i32, %c0_i32_0 : i32, i32, i32
  }
  func.func @transform_3(%arg0: i32, %arg1: i32) -> (i32, i32) {
    %c0_i32 = arith.constant 0 : i32
    %c0_i32_0 = arith.constant 0 : i32
    return %arg1, %c0_i32 : i32, i32
  }
  func.func @transform_4(%arg0: i32, %arg1: i32) -> (i32, i32, i32) {
    %c0_i32 = arith.constant 0 : i32
    %c0_i32_0 = arith.constant 0 : i32
    %c0_i32_1 = arith.constant 0 : i32
    return %arg0, %c0_i32, %c0_i32_0 : i32, i32, i32
  }
  func.func @transform_5(%arg0: i32, %arg1: i32) -> (i32, i32, i32) {
    %c0_i32 = arith.constant 0 : i32
    %c0_i32_0 = arith.constant 0 : i32
    %c0_i32_1 = arith.constant 0 : i32
    return %arg0, %c0_i32, %c0_i32_0 : i32, i32, i32
  }
  func.func @transform_6(%arg0: i32, %arg1: i32) -> (i32, i32) {
    %c0_i32 = arith.constant 0 : i32
    %c0_i32_0 = arith.constant 0 : i32
    %c0_i32_1 = arith.constant 0 : i32
    return %c0_i32, %c0_i32_0 : i32, i32
  }
}

</mosaic_0001>

<sc_bundles>
// kernel: kernel.4.cloned.1.call-start
scs
__scs_entry_jumppad:
0x0: {  	(pc) =	sbr.rel $0x88, $3  }
0x1: {  	(tag) =	ssettag $0x0;
	lr =	simm.s32 $0x1  }
0x2: {  	[smem:$0x3F9F] =	sst lr;
	_ =	strace $0xD0000000  }
0x3: {  	_ = 	snop  }
0x4: {  	_ = 	snop  }
0x5: {  	_ = 	snop  }
0x6: {  	_ = 	snop  }
0x7: {  	_ = 	snop  }
__scs_overlays_trampoline_lowered:
0x8: {  	[smem:$0x3FAE] =	sst s0  }
0x9: {  	[smem:$0x3FAF] =	sst s1  }
0xa: {  	[smem:$0x3FB0] =	sst s2  }
0xb: {  	[smem:$0x3FB1] =	sst s3  }
0xc: {  	[smem:$0x3FB2] =	sst s4  }
0xd: {  	[smem:$0x3FB3] =	sst s5  }
0xe: {  	[smem:$0x3FB4] =	sst s6  }
0xf: {  	[smem:$0x3FB5] =	sst s7  }
0x10: {  	[smem:$0x3FB6] =	sst s8  }
0x11: {  	[smem:$0x3FB7] =	sst s9;
	s0 =	simm.s32 @!p0 $0x0  }
0x12: {  	s1 =	sld [smem:$0x3F9D];
	s0 =	simm.s32 @p0 $0x1  }
0x13: {  	[smem:$0x3FB8] =	sst s0;
	s0 =	simm.s32 @!p1 $0x0  }
0x14: {  	s2 =	sld [smem:$0x3F9C];
	s0 =	simm.s32 @p1 $0x1  }
0x15: {  	[smem:$0x3FB9] =	sst s0;
	s0 =	simm.s32 @!p2 $0x0  }
0x16: {  	s3 =	sld [smem:$0x3FDB];
	s0 =	simm.s32 @p2 $0x1  }
0x17: {  	s4 =	simm.s32 $0x1BF5;
	[smem:$0x3FBB] =	sst s0  }
0x18: {  	s0 =	sld [smem:$0x3F9E];
	_ =	swait.ge [sflag:s4], $0x0  }
0x19: {  	s7 =	sld [smem:$0x3F9F]  }
0x1a: {  	s8 =	sadd.s32 $0xFFFFE003, lr  }
0x1b: {  	s9 =	sadd.s32 $0xFFFFFEF7, lr;
	s5 =	simm.s32 $0xFFFFFFFF;
	p2 =	slt.u32 s8, $0xFFFFF086  }
0x1c: {  	p1 =	slt.u32 s9, $0xF7A;
	s5 =	simm.s32 @!p2 $0x0  }
0x1d: {  	s5 =	simm.s32 @p1 $0x1;
	p0 =	seq.s32 s7, s2  }
0x1e: {  	s7 =	smul.u32 @!p0 $0xF7A, s2;
	p2 =	seq.s32 @!p0 s5, $0x0  }
0x1f: {  	s9 =	smul.u32 $0xF7A, s1;
	s8 =	simm.s32 @!p0 $0x1BF5;
	p2 =	por !p2, p0  }
0x20: {  	[sflag:s8] =	ssyncset.s32 @!p0 $0xFFFFF086;
	s6 =	sadd.s32 @!p0 s3, s7;
	s7 =	simm.s32 @!p0 $0x108  }
0x21: {  	s3 =	sadd.s32 s3, s9;
	s6 =	sadd.s32 @!p0 $0x88, s6;
	s7 =	simm.s32 @p2 $0x1082  }
0x22: {  	[simem:s7], [sflag:s8] =	dma.local @!p0 [hbm:s6], $0xF7A  }
0x23: {  	s9 =	sor.u32 $0xD0000000, s2;
	s6 =	simm.s32 $0x108;
	_ =	swait.ge @!p0 [sflag:s8], $0x0  }
0x24: {  	s3 =	sadd.s32 $0x88, s3;
	s6 =	simm.s32 @!p1 $0x1082;
	[sflag:s4] =	ssyncset.s32 $0xFFFFF086  }
0x25: {  	[simem:s6], [sflag:s4] =	dma.local [hbm:s3], $0xF7A  }
0x26: {  	[smem:$0x3F9F] =	sst s1;
	(tag) =	ssettag s2;
	_ =	strace s9  }
0x27: {  	s1 =	sld [smem:$0x3FAF]  }
0x28: {  	s2 =	sld [smem:$0x3FB0]  }
0x29: {  	s4 =	sld [smem:$0x3FB2]  }
0x2a: {  	p0 =	seq.s32 s5, $0x0;
	s5 =	sld [smem:$0x3FB3]  }
0x2b: {  	s6 =	sld [smem:$0x3FB4]  }
0x2c: {  	s7 =	sld [smem:$0x3FB5]  }
0x2d: {  	s3 =	simm.s32 $0x108;
	s8 =	sld [smem:$0x3FB6]  }
0x2e: {  	s3 =	simm.s32 @!p0 $0x1082;
	s9 =	sld [smem:$0x3FB7]  }
0x2f: {  	lr =	sadd.s32 s0, s3;
	s0 =	sld [smem:$0x3FAE]  }
0x30: {  	s3 =	sld [smem:$0x3FB1]  }
0x31: {  	[smem:$0x3FBA] =	sst s10  }
0x32: {  	s10 =	sld [smem:$0x3FB8];
	_ =	sdelay $0x3  }
0x33: {  	p0 =	seq.s32 s10, $0x1;
	s10 =	sld [smem:$0x3FBA];
	_ =	sdelay $0x3  }
0x34: {  	[smem:$0x3FBA] =	sst s10  }
0x35: {  	s10 =	sld [smem:$0x3FB9];
	_ =	sdelay $0x3  }
0x36: {  	p1 =	seq.s32 s10, $0x1;
	s10 =	sld [smem:$0x3FBA];
	_ =	sdelay $0x3  }
0x37: {  	[smem:$0x3FBA] =	sst s10  }
0x38: {  	s10 =	sld [smem:$0x3FBB]  }
0x39: {  	_ = 	snop;
	(pc) =	sbr.ind lr, $3  }
0x3a: {  	_ = 	snop  }
0x3b: {  	_ = 	snop  }
0x3c: {  	p2 =	seq.s32 s10, $0x1;
	s10 =	sld [smem:$0x3FBA]  }
0x3d: {  	_ =	shalt  }
0x3e: {  	_ =	shalt  }
0x3f: {  	_ =	shalt  }
0x40: {  	_ =	shalt  }
0x41: {  	_ =	shalt  }
0x42: {  	_ =	shalt  }
0x43: {  	_ =	shalt  }
0x44: {  	_ =	shalt  }
0x45: {  	_ =	shalt  }
0x46: {  	_ =	shalt  }
0x47: {  	_ =	shalt  }
0x48: {  	_ =	shalt  }
0x49: {  	_ =	shalt  }
0x4a: {  	_ =	shalt  }
0x4b: {  	_ =	shalt  }
0x4c: {  	_ =	shalt  }
0x4d: {  	_ =	shalt  }
0x4e: {  	_ =	shalt  }
0x4f: {  	_ =	shalt  }
0x50: {  	_ =	shalt  }
0x51: {  	_ =	shalt  }
0x52: {  	_ =	shalt  }
0x53: {  	_ =	shalt  }
0x54: {  	_ =	shalt  }
0x55: {  	_ =	shalt  }
0x56: {  	_ =	shalt  }
0x57: {  	_ =	shalt  }
0x58: {  	_ =	shalt  }
0x59: {  	_ =	shalt  }
0x5a: {  	_ =	shalt  }
0x5b: {  	_ =	shalt  }
0x5c: {  	_ =	shalt  }
0x5d: {  	_ =	shalt  }
0x5e: {  	_ =	shalt  }
0x5f: {  	_ =	shalt  }
0x60: {  	_ =	shalt  }
0x61: {  	_ =	shalt  }
0x62: {  	_ =	shalt  }
0x63: {  	_ =	shalt  }
0x64: {  	_ =	shalt  }
0x65: {  	_ =	shalt  }
0x66: {  	_ =	shalt  }
0x67: {  	_ =	shalt  }
0x68: {  	_ =	shalt  }
0x69: {  	_ =	shalt  }
0x6a: {  	_ =	shalt  }
0x6b: {  	_ =	shalt  }
0x6c: {  	_ =	shalt  }
0x6d: {  	_ =	shalt  }
0x6e: {  	_ =	shalt  }
0x6f: {  	_ =	shalt  }
0x70: {  	_ =	shalt  }
0x71: {  	_ =	shalt  }
0x72: {  	_ =	shalt  }
0x73: {  	_ =	shalt  }
0x74: {  	_ =	shalt  }
0x75: {  	_ =	shalt  }
0x76: {  	_ =	shalt  }
0x77: {  	_ =	shalt  }
0x78: {  	_ =	shalt  }
0x79: {  	_ =	shalt  }
0x7a: {  	_ =	shalt  }
0x7b: {  	_ =	shalt  }
0x7c: {  	_ =	shalt  }
0x7d: {  	_ =	shalt  }
0x7e: {  	_ =	shalt  }
0x7f: {  	_ =	shalt  }
0x80: {  	_ =	shalt  }
0x81: {  	_ =	shalt  }
0x82: {  	_ =	shalt  }
0x83: {  	_ =	shalt  }
0x84: {  	_ =	shalt  }
0x85: {  	_ =	shalt  }
0x86: {  	_ =	shalt  }
0x87: {  	_ =	shalt  }
.Lfunc_end0:
.L_simem_size_0:
called_computation_lowered:
.L_overlay_start_0:
0x88: {  	s2 =	sld [smem:$0x3FD9]  }
0x89: {  	s3 =	sld [smem:$0x3FFE];
	_ =	sdelay $0x1  }
0x8a: {  	s1 =	srdreg.scid  }
0x8b: {  	s0 =	sand.u32 $0x1, s1  }
0x8c: {  	s14 =	sshll.u32 s0, $0xA;
	s2 =	sadd.s32 s3, s2  }
0x8d: {  	s2 =	sadd.s32 s2, s14  }
0x8e: {  	[smem:$0x3FC6] =	sst s2  }
0x8f: {  	_ = 	snop  }
0x90: {  	s2 =	sld [smem:$0x3FD0];
	_ =	sdelay $0x2  }
0x91: {  	s4 =	simm.s32 $0xA;
	s5 =	simm.s32 $0x10;
	s15 =	sld [smem:$0x3FC8]  }
0x92: {  	[smem:s5], [sflag:s4] =	dma.local [hbm:s2], $0x1  }
0x93: {  	_ =	swait.eq [sflag:s4], $0x1  }
0x94: {  	[sflag:s4] =	ssyncset.done $0x0  }
0x95: {  	[sflag:s4] =	ssyncadd.s32 $0xFFFFFFFF  }
0x96: {  	s16 =	sld [smem:$0x11];
	(tm) =	ssettm $0x1  }
0x97: {  	s17 =	sld [smem:$0x3FFB];
	_ =	sdelay $0x3  }
0x98: {  	_ =	strace s17  }
0x99: {  	s4 =	sld [smem:$0x3FFC];
	_ =	sdelay $0x3  }
0x9a: {  	_ =	strace s4  }
0x9b: {  	s4 =	sld [smem:$0x3FFD];
	_ =	sdelay $0x3  }
0x9c: {  	_ =	strace s4  }
0x9d: {  	_ =	strace $0x8FFFFFFF  }
0x9e: {  	s18 =	sld [smem:$0x3FDB];
	_ =	sdelay $0x1  }
0x9f: {  	s19 =	simm.s32 $_scs_section_size  }
0xa0: {  	s6 =	simm.s32 $_size__tile_overlayer_lowered;
	s7 =	simm.s32 $_tile_overlayer_lowered  }
0xa1: {  	s22 =	simm.s32 $0x1BFF;
	s21 =	sshll.u32 s7, $0x1;
	s4 =	sadd.s32 s19, s18  }
0xa2: {  	s8 =	simm.s32 $0x0;
	s20 =	sshll.u32 s6, $0x1;
	s6 =	sadd.s32 s21, s4  }
0xa3: {  	[timem:s8], [sflag:s22] =	dma.local [hbm:s6], s20  }
0xa4: {  	_ =	swait.ge [sflag:s22], s20  }
0xa5: {  	s5 =	ssub.s32 $0x0, s20;
	[sflag:s22] =	ssyncset.done $0x0  }
0xa6: {  	[sflag:s22] =	ssyncadd.s32 s5;
	_ =	sdelay $0x1  }
0xa7: {  	s23 =	simm.s32 $0x1B8B  }
0xa8: {  	_ =	swait.ge [sflag:s23], $0x1  }
0xa9: {  	[sflag:s23] =	ssyncset.done $0x0  }
0xaa: {  	s25 =	simm.s32 $0x1B8E;
	s24 =	sld [smem:$0x3FFE];
	[sflag:s23] =	ssyncadd.s32 $0xFFFFFFFF  }
0xab: {  	s26 =	simm.s32 $execute0_lowered;
	[smem:$0x3FD2] =	sst s25  }
0xac: {  	s6 =	sshll.u32 s26, $0x1;
	_ =	strace $0x80000046;
	[dreg:$0x1] =	wrdreg $0xFFFFFFFF  }
0xad: {  	s28 =	simm.s32 $_size_execute0_lowered;
	s4 =	sadd.s32 s4, s6;
	[dreg:$0x0] =	wrdreg $0x0  }
0xae: {  	s6 =	sshll.u32 s28, $0x1;
	[dreg:$0x2] =	wrdreg s4  }
0xaf: {  	[dreg:$0x3] =	wrdreg s6  }
0xb0: {  	[dreg:$0x4] =	wrdreg $0xC0  }
0xb1: {  	_ =	task [dreg:s8], $0x5FFFF  }
0xb2: {  	[dreg:$0x1] =	wrdreg $0xFFFFFFFF  }
0xb3: {  	[dreg:$0x0] =	wrdreg $0x60  }
0xb4: {  	[dreg:$0x2] =	wrdreg s15  }
0xb5: {  	[dreg:$0x3] =	wrdreg s24  }
0xb6: {  	[dreg:$0x4] =	wrdreg s16  }
0xb7: {  	[dreg:$0x5] =	wrdreg $0x9  }
0xb8: {  	_ =	task.clear_ibuf [dreg:s8], $0x6FFFF;
	_ =	strace $0x90000046  }
0xb9: {  	s29 =	simm.s32 $0x9;
	_ =	strace $0x80000048  }
0xba: {  	_ =	swait.ge [sflag:s29], $0x1  }
0xbb: {  	[sflag:s29] =	ssyncadd.s32 $0xFFFFFFFF  }
0xbc: {  	_ =	strace $0x90000048  }
0xbd: {  	_ =	sfence  }
0xbe: {  	s30 =	sld [smem:$0x0];
	_ =	sdelay $0x2  }
0xbf: {  	s31 =	sshll.u32 s1, $0xD;
	s1 =	sshrl.u32 s1, $0x2  }
0xc0: {  	s3 =	sand.u32 $0x4000, s31;
	s1 =	sadd.s32 s1, s30  }
0xc1: {  	s0 =	sor.u32 s3, s0;
	s1 =	sshll.u32 s1, $0x11  }
0xc2: {  	s0 =	sor.u32 s1, s0  }
0xc3: {  	s0 =	sadd.s32 $0x8F2B, s0  }
0xc4: {  	[sflag:s0] =	ssyncadd.remote.s32 $0x1  }
0xc5: {  	_ =	sfence.sel $0xFFFF  }
0xc6: {  	[dreg:$0x0] =	wrdreg $0xFFFFFFFF;
	(pc) =	sbr.abs _section_cstart, $3  }
0xc7: {  	[dreg:$0x1] =	wrdreg $0xFFFFFFFF  }
0xc8: {  	_ =	task.clear_ibuf [dreg:s8], $0x2FFFF;
	_ =	strace $0x9FFFFFFF  }
0xc9: {  	(tm) =	ssettm $0x7FFFFFFF  }
tec
execute0_lowered:
.L_overlay_start_1:
0x0: {  	(tag) =	ssettag $0x1  }
0x1: {  	s1 =	rddreg [dreg:$0x0]  }
0x2: {  	s4 =	rddreg [dreg:$0x1]  }
0x3: {  	s5 =	rddreg [dreg:$0x2]  }
0x4: {  	s0 =	rddreg [dreg:$0x3]  }
0x5: {  	s6 =	srdreg.scid;
	s3 =	simm.s32 $0x0;
	s2 =	stileid.u32  }
0x6: {  	s10 =	simm.s32 $0x2;
	s11 =	simm.s32 $0x200;
	s12 =	simm.s32 $0xA00  }
0x7: {  	s13 =	simm.s32 $0x1200;
	s14 =	simm.s32 $0x1A00;
	s15 =	simm.s32 $0x2200  }
0x8: {  	s16 =	simm.s32 $0x2A00;
	s17 =	simm.s32 $0x3200;
	s18 =	simm.s32 $0x3A00  }
0x9: {  	s19 =	simm.s32 $0x4200;
	s20 =	simm.s32 $0x4A00;
	s21 =	simm.s32 $0x5200  }
0xa: {  	s22 =	simm.s32 $0x5A00;
	s23 =	simm.s32 $0x6200;
	s24 =	simm.s32 $0x6A00  }
0xb: {  	s25 =	simm.s32 $0x7200;
	s26 =	simm.s32 $0x7A00;
	s6 =	sand.u32 $0x1, s6  }
0xc: {  	s28 =	simm.s32 $0x1;
	s7 =	sshll.u32 s2, $0xA;
	s8 =	sshll.u32 s6, $0x9  }
0xd: {  	[smem:$0x7FF] =	sst s3;
	s6 =	ssub.s32 $0x2, s6;
	s7 =	sor.u32 s8, s7  }
0xe: {  	_ =	strace $0x80000047;
	s9 =	sshrl.u32 s6, $0x1;
	s8 =	sshrl.u32 s7, $0x3  }
0xf: {  	v2 =	vlaneseq.u32;
	s7 =	sshll.u32 s7, $0x5;
	s9 =	ssub.s32 s6, s9;
	s8 =	sadd.s32 s8, s4  }
0x10: {  	vm0 =	vmmov $0xffff;
	v1 =	vshrl.u32 v2, $0x3;
	s4 =	sadd.s32 s5, s7;
	s9 =	smax.u32 s9, $0x1;
	s5 =	sadd.s32 $0x400, s8  }
0x11: {  	v0 =	vand.u32 $0x7, v2;
	v2 =	vor.u32 $0x8, v2;
	v1 =	vmul.u32 $0x8, v1;
	s6 =	sadd.s32 $0x1000, s4;
	s7 =	sadd.s32 $0x2000, s4;
	s8 =	sadd.s32 $0x3000, s4  }
.LBB2_1:
0x12: {  	[tilespmem:s3], [sflag:$0x2] =	stream.linear.gather [hbm4b:s5+s3], $0x200, $0x38;
	[tilespmem:$0x8200] =	vst v63  }
0x13: {  	_ =	swait.ge [sflag:s10], $0x200  }
0x14: {  	[sflag:s10] =	ssyncset.done $0x0  }
0x15: {  	[sflag:s10] =	ssyncadd.s32 $0xFFFFFE00  }
0x16: {  	v3 =	vld [tilespmem:$0x0];
	_ =	sdelay $0x4  }
0x17: {  	v4 =	vshll.u32 v3, $0x1  }
0x18: {  	v3 =	vand.u32 $0x7, v3;
	v4 =	vand.u32 $0xFFFFFFF0, v4  }
0x19: {  	v3 =	vor.u32 v3, v4  }
0x1a: {  	v4 =	vperm.xlane v3, v0;
	_ =	sdelay $0x1  }
0x1b: {  	v3 =	vperm.xlane v3, v2;
	v4 =	vadd.s32 v1, v4;
	_ =	sdelay $0x1  }
0x1c: {  	v3 =	vadd.s32 v1, v3;
	_ =	sdelay $0x2  }
0x1d: {  	[tilespmem:s11], [sflag:$0x1] =	stream.indirect_vreg.gather [hbm4b:s1+s3], $0x80, v4, vm0, $0xb8;
	[tilespmem:$0x8200] =	vst v63  }
0x1e: {  	_ = 	snop  }
0x1f: {  	[tilespmem:s12], [sflag:$0x1] =	stream.indirect_vreg.gather [hbm4b:s1+s3], $0x80, v3, vm0, $0xb8;
	[tilespmem:$0x8200] =	vst v63  }
0x20: {  	v3 =	vld [tilespmem:$0x10];
	_ =	sdelay $0x4  }
0x21: {  	v33 =	vshll.u32 v3, $0x1  }
0x22: {  	v3 =	vand.u32 $0x7, v3;
	v4 =	vand.u32 $0xFFFFFFF0, v33  }
0x23: {  	v3 =	vor.u32 v3, v4  }
0x24: {  	v4 =	vperm.xlane v3, v0;
	_ =	sdelay $0x1  }
0x25: {  	v3 =	vperm.xlane v3, v2;
	v4 =	vadd.s32 v1, v4;
	_ =	sdelay $0x1  }
0x26: {  	v3 =	vadd.s32 v1, v3;
	_ =	sdelay $0x2  }
0x27: {  	[tilespmem:s13], [sflag:$0x1] =	stream.indirect_vreg.gather [hbm4b:s1+s3], $0x80, v4, vm0, $0xb8;
	[tilespmem:$0x8200] =	vst v63  }
0x28: {  	_ = 	snop  }
0x29: {  	[tilespmem:s14], [sflag:$0x1] =	stream.indirect_vreg.gather [hbm4b:s1+s3], $0x80, v3, vm0, $0xb8;
	[tilespmem:$0x8200] =	vst v63  }
0x2a: {  	v3 =	vld [tilespmem:$0x20];
	_ =	sdelay $0x4  }
0x2b: {  	v34 =	vshll.u32 v3, $0x1  }
0x2c: {  	v3 =	vand.u32 $0x7, v3;
	v4 =	vand.u32 $0xFFFFFFF0, v34  }
0x2d: {  	v3 =	vor.u32 v3, v4  }
0x2e: {  	v4 =	vperm.xlane v3, v0;
	_ =	sdelay $0x1  }
0x2f: {  	v3 =	vperm.xlane v3, v2;
	v4 =	vadd.s32 v1, v4;
	_ =	sdelay $0x1  }
0x30: {  	v3 =	vadd.s32 v1, v3;
	_ =	sdelay $0x2  }
0x31: {  	[tilespmem:s15], [sflag:$0x1] =	stream.indirect_vreg.gather [hbm4b:s1+s3], $0x80, v4, vm0, $0xb8;
	[tilespmem:$0x8200] =	vst v63  }
0x32: {  	_ = 	snop  }
0x33: {  	[tilespmem:s16], [sflag:$0x1] =	stream.indirect_vreg.gather [hbm4b:s1+s3], $0x80, v3, vm0, $0xb8;
	[tilespmem:$0x8200] =	vst v63  }
0x34: {  	v3 =	vld [tilespmem:$0x30];
	_ =	sdelay $0x4  }
0x35: {  	v35 =	vshll.u32 v3, $0x1  }
0x36: {  	v3 =	vand.u32 $0x7, v3;
	v4 =	vand.u32 $0xFFFFFFF0, v35  }
0x37: {  	v3 =	vor.u32 v3, v4  }
0x38: {  	v4 =	vperm.xlane v3, v0;
	_ =	sdelay $0x1  }
0x39: {  	v3 =	vperm.xlane v3, v2;
	v4 =	vadd.s32 v1, v4;
	_ =	sdelay $0x1  }
0x3a: {  	v3 =	vadd.s32 v1, v3;
	_ =	sdelay $0x2  }
0x3b: {  	[tilespmem:s17], [sflag:$0x1] =	stream.indirect_vreg.gather [hbm4b:s1+s3], $0x80, v4, vm0, $0xb8;
	[tilespmem:$0x8200] =	vst v63  }
0x3c: {  	_ = 	snop  }
0x3d: {  	[tilespmem:s18], [sflag:$0x1] =	stream.indirect_vreg.gather [hbm4b:s1+s3], $0x80, v3, vm0, $0xb8;
	[tilespmem:$0x8200] =	vst v63  }
0x3e: {  	v3 =	vld [tilespmem:$0x40];
	_ =	sdelay $0x4  }
0x3f: {  	v36 =	vshll.u32 v3, $0x1  }
0x40: {  	v3 =	vand.u32 $0x7, v3;
	v4 =	vand.u32 $0xFFFFFFF0, v36  }
0x41: {  	v3 =	vor.u32 v3, v4  }
0x42: {  	v4 =	vperm.xlane v3, v0;
	_ =	sdelay $0x1  }
0x43: {  	v3 =	vperm.xlane v3, v2;
	v4 =	vadd.s32 v1, v4;
	_ =	sdelay $0x1  }
0x44: {  	v3 =	vadd.s32 v1, v3;
	_ =	sdelay $0x2  }
0x45: {  	[tilespmem:s19], [sflag:$0x1] =	stream.indirect_vreg.gather [hbm4b:s1+s3], $0x80, v4, vm0, $0xb8;
	[tilespmem:$0x8200] =	vst v63  }
0x46: {  	_ = 	snop  }
0x47: {  	[tilespmem:s20], [sflag:$0x1] =	stream.indirect_vreg.gather [hbm4b:s1+s3], $0x80, v3, vm0, $0xb8;
	[tilespmem:$0x8200] =	vst v63  }
0x48: {  	v3 =	vld [tilespmem:$0x50];
	_ =	sdelay $0x4  }
0x49: {  	v37 =	vshll.u32 v3, $0x1  }
0x4a: {  	v3 =	vand.u32 $0x7, v3;
	v4 =	vand.u32 $0xFFFFFFF0, v37  }
0x4b: {  	v3 =	vor.u32 v3, v4  }
0x4c: {  	v4 =	vperm.xlane v3, v0;
	_ =	sdelay $0x1  }
0x4d: {  	v3 =	vperm.xlane v3, v2;
	v4 =	vadd.s32 v1, v4;
	_ =	sdelay $0x1  }
0x4e: {  	v3 =	vadd.s32 v1, v3;
	_ =	sdelay $0x2  }
0x4f: {  	[tilespmem:s21], [sflag:$0x1] =	stream.indirect_vreg.gather [hbm4b:s1+s3], $0x80, v4, vm0, $0xb8;
	[tilespmem:$0x8200] =	vst v63  }
0x50: {  	_ = 	snop  }
0x51: {  	[tilespmem:s22], [sflag:$0x1] =	stream.indirect_vreg.gather [hbm4b:s1+s3], $0x80, v3, vm0, $0xb8;
	[tilespmem:$0x8200] =	vst v63  }
0x52: {  	v3 =	vld [tilespmem:$0x60];
	_ =	sdelay $0x4  }
0x53: {  	v38 =	vshll.u32 v3, $0x1  }
0x54: {  	v3 =	vand.u32 $0x7, v3;
	v4 =	vand.u32 $0xFFFFFFF0, v38  }
0x55: {  	v3 =	vor.u32 v3, v4  }
0x56: {  	v4 =	vperm.xlane v3, v0;
	_ =	sdelay $0x1  }
0x57: {  	v3 =	vperm.xlane v3, v2;
	v4 =	vadd.s32 v1, v4;
	_ =	sdelay $0x1  }
0x58: {  	v3 =	vadd.s32 v1, v3;
	_ =	sdelay $0x2  }
0x59: {  	[tilespmem:s23], [sflag:$0x1] =	stream.indirect_vreg.gather [hbm4b:s1+s3], $0x80, v4, vm0, $0xb8;
	[tilespmem:$0x8200] =	vst v63  }
0x5a: {  	_ = 	snop  }
0x5b: {  	[tilespmem:s24], [sflag:$0x1] =	stream.indirect_vreg.gather [hbm4b:s1+s3], $0x80, v3, vm0, $0xb8;
	[tilespmem:$0x8200] =	vst v63  }
0x5c: {  	v3 =	vld [tilespmem:$0x70];
	_ =	sdelay $0x4  }
0x5d: {  	v39 =	vshll.u32 v3, $0x1  }
0x5e: {  	v3 =	vand.u32 $0x7, v3;
	v4 =	vand.u32 $0xFFFFFFF0, v39  }
0x5f: {  	v3 =	vor.u32 v3, v4  }
0x60: {  	v4 =	vperm.xlane v3, v0;
	_ =	sdelay $0x1  }
0x61: {  	v3 =	vperm.xlane v3, v2;
	v4 =	vadd.s32 v1, v4;
	_ =	sdelay $0x1  }
0x62: {  	v3 =	vadd.s32 v1, v3;
	_ =	sdelay $0x2  }
0x63: {  	[tilespmem:s25], [sflag:$0x1] =	stream.indirect_vreg.gather [hbm4b:s1+s3], $0x80, v4, vm0, $0xb8;
	[tilespmem:$0x8200] =	vst v63  }
0x64: {  	_ = 	snop  }
0x65: {  	[tilespmem:s26], [sflag:$0x1] =	stream.indirect_vreg.gather [hbm4b:s1+s3], $0x80, v3, vm0, $0xb8;
	[tilespmem:$0x8200] =	vst v63  }
0x66: {  	_ =	swait.ge [sflag:s28], $0x8000  }
0x67: {  	[sflag:s28] =	ssyncset.done $0x0  }
0x68: {  	[sflag:s28] =	ssyncadd.s32 $0xFFFF8000  }
0x69: {  	[hbm4b:s4+s3] =	stream.linear.scatter [tilespmem:s11], [sflag:$0x2], $0x8000, $0x38;
	[tilespmem:$0x8200] =	vst v63  }
0x6a: {  	_ =	swait.ge [sflag:s10], $0x8000  }
0x6b: {  	[sflag:s10] =	ssyncset.done $0x0  }
0x6c: {  	[sflag:s10] =	ssyncadd.s32 $0xFFFF8000  }
0x6d: {  	v3 =	vld [tilespmem:$0x80];
	_ =	sdelay $0x4  }
0x6e: {  	v40 =	vshll.u32 v3, $0x1  }
0x6f: {  	v3 =	vand.u32 $0x7, v3;
	v4 =	vand.u32 $0xFFFFFFF0, v40  }
0x70: {  	v3 =	vor.u32 v3, v4  }
0x71: {  	v4 =	vperm.xlane v3, v0;
	_ =	sdelay $0x1  }
0x72: {  	v3 =	vperm.xlane v3, v2;
	v4 =	vadd.s32 v1, v4;
	_ =	sdelay $0x1  }
0x73: {  	v3 =	vadd.s32 v1, v3;
	_ =	sdelay $0x2  }
0x74: {  	[tilespmem:s11], [sflag:$0x1] =	stream.indirect_vreg.gather [hbm4b:s1+s3], $0x80, v4, vm0, $0xb8;
	[tilespmem:$0x8200] =	vst v63  }
0x75: {  	_ = 	snop  }
0x76: {  	[tilespmem:s12], [sflag:$0x1] =	stream.indirect_vreg.gather [hbm4b:s1+s3], $0x80, v3, vm0, $0xb8;
	[tilespmem:$0x8200] =	vst v63  }
0x77: {  	v3 =	vld [tilespmem:$0x90];
	_ =	sdelay $0x4  }
0x78: {  	v41 =	vshll.u32 v3, $0x1  }
0x79: {  	v3 =	vand.u32 $0x7, v3;
	v4 =	vand.u32 $0xFFFFFFF0, v41  }
0x7a: {  	v3 =	vor.u32 v3, v4  }
0x7b: {  	v4 =	vperm.xlane v3, v0;
	_ =	sdelay $0x1  }
0x7c: {  	v3 =	vperm.xlane v3, v2;
	v4 =	vadd.s32 v1, v4;
	_ =	sdelay $0x1  }
0x7d: {  	v3 =	vadd.s32 v1, v3;
	_ =	sdelay $0x2  }
0x7e: {  	[tilespmem:s13], [sflag:$0x1] =	stream.indirect_vreg.gather [hbm4b:s1+s3], $0x80, v4, vm0, $0xb8;
	[tilespmem:$0x8200] =	vst v63  }
0x7f: {  	_ = 	snop  }
0x80: {  	[tilespmem:s14], [sflag:$0x1] =	stream.indirect_vreg.gather [hbm4b:s1+s3], $0x80, v3, vm0, $0xb8;
	[tilespmem:$0x8200] =	vst v63  }
0x81: {  	v3 =	vld [tilespmem:$0xA0];
	_ =	sdelay $0x4  }
0x82: {  	v42 =	vshll.u32 v3, $0x1  }
0x83: {  	v3 =	vand.u32 $0x7, v3;
	v4 =	vand.u32 $0xFFFFFFF0, v42  }
0x84: {  	v3 =	vor.u32 v3, v4  }
0x85: {  	v4 =	vperm.xlane v3, v0;
	_ =	sdelay $0x1  }
0x86: {  	v3 =	vperm.xlane v3, v2;
	v4 =	vadd.s32 v1, v4;
	_ =	sdelay $0x1  }
0x87: {  	v3 =	vadd.s32 v1, v3;
	_ =	sdelay $0x2  }
0x88: {  	[tilespmem:s15], [sflag:$0x1] =	stream.indirect_vreg.gather [hbm4b:s1+s3], $0x80, v4, vm0, $0xb8;
	[tilespmem:$0x8200] =	vst v63  }
0x89: {  	_ = 	snop  }
0x8a: {  	[tilespmem:s16], [sflag:$0x1] =	stream.indirect_vreg.gather [hbm4b:s1+s3], $0x80, v3, vm0, $0xb8;
	[tilespmem:$0x8200] =	vst v63  }
0x8b: {  	v3 =	vld [tilespmem:$0xB0];
	_ =	sdelay $0x4  }
0x8c: {  	v43 =	vshll.u32 v3, $0x1  }
0x8d: {  	v3 =	vand.u32 $0x7, v3;
	v4 =	vand.u32 $0xFFFFFFF0, v43  }
0x8e: {  	v3 =	vor.u32 v3, v4  }
0x8f: {  	v4 =	vperm.xlane v3, v0;
	_ =	sdelay $0x1  }
0x90: {  	v3 =	vperm.xlane v3, v2;
	v4 =	vadd.s32 v1, v4;
	_ =	sdelay $0x1  }
0x91: {  	v3 =	vadd.s32 v1, v3;
	_ =	sdelay $0x2  }
0x92: {  	[tilespmem:s17], [sflag:$0x1] =	stream.indirect_vreg.gather [hbm4b:s1+s3], $0x80, v4, vm0, $0xb8;
	[tilespmem:$0x8200] =	vst v63  }
0x93: {  	_ = 	snop  }
0x94: {  	[tilespmem:s18], [sflag:$0x1] =	stream.indirect_vreg.gather [hbm4b:s1+s3], $0x80, v3, vm0, $0xb8;
	[tilespmem:$0x8200] =	vst v63  }
0x95: {  	v3 =	vld [tilespmem:$0xC0];
	_ =	sdelay $0x4  }
0x96: {  	v44 =	vshll.u32 v3, $0x1  }
0x97: {  	v3 =	vand.u32 $0x7, v3;
	v4 =	vand.u32 $0xFFFFFFF0, v44  }
0x98: {  	v3 =	vor.u32 v3, v4  }
0x99: {  	v4 =	vperm.xlane v3, v0;
	_ =	sdelay $0x1  }
0x9a: {  	v3 =	vperm.xlane v3, v2;
	v4 =	vadd.s32 v1, v4;
	_ =	sdelay $0x1  }
0x9b: {  	v3 =	vadd.s32 v1, v3;
	_ =	sdelay $0x2  }
0x9c: {  	[tilespmem:s19], [sflag:$0x1] =	stream.indirect_vreg.gather [hbm4b:s1+s3], $0x80, v4, vm0, $0xb8;
	[tilespmem:$0x8200] =	vst v63  }
0x9d: {  	_ = 	snop  }
0x9e: {  	[tilespmem:s20], [sflag:$0x1] =	stream.indirect_vreg.gather [hbm4b:s1+s3], $0x80, v3, vm0, $0xb8;
	[tilespmem:$0x8200] =	vst v63  }
0x9f: {  	v3 =	vld [tilespmem:$0xD0];
	_ =	sdelay $0x4  }
0xa0: {  	v45 =	vshll.u32 v3, $0x1  }
0xa1: {  	v3 =	vand.u32 $0x7, v3;
	v4 =	vand.u32 $0xFFFFFFF0, v45  }
0xa2: {  	v3 =	vor.u32 v3, v4  }
0xa3: {  	v4 =	vperm.xlane v3, v0;
	_ =	sdelay $0x1  }
0xa4: {  	v3 =	vperm.xlane v3, v2;
	v4 =	vadd.s32 v1, v4;
	_ =	sdelay $0x1  }
0xa5: {  	v3 =	vadd.s32 v1, v3;
	_ =	sdelay $0x2  }
0xa6: {  	[tilespmem:s21], [sflag:$0x1] =	stream.indirect_vreg.gather [hbm4b:s1+s3], $0x80, v4, vm0, $0xb8;
	[tilespmem:$0x8200] =	vst v63  }
0xa7: {  	_ = 	snop  }
0xa8: {  	[tilespmem:s22], [sflag:$0x1] =	stream.indirect_vreg.gather [hbm4b:s1+s3], $0x80, v3, vm0, $0xb8;
	[tilespmem:$0x8200] =	vst v63  }
0xa9: {  	v3 =	vld [tilespmem:$0xE0];
	_ =	sdelay $0x4  }
0xaa: {  	v46 =	vshll.u32 v3, $0x1  }
0xab: {  	v3 =	vand.u32 $0x7, v3;
	v4 =	vand.u32 $0xFFFFFFF0, v46  }
0xac: {  	v3 =	vor.u32 v3, v4  }
0xad: {  	v4 =	vperm.xlane v3, v0;
	_ =	sdelay $0x1  }
0xae: {  	v3 =	vperm.xlane v3, v2;
	v4 =	vadd.s32 v1, v4;
	_ =	sdelay $0x1  }
0xaf: {  	v3 =	vadd.s32 v1, v3;
	_ =	sdelay $0x2  }
0xb0: {  	[tilespmem:s23], [sflag:$0x1] =	stream.indirect_vreg.gather [hbm4b:s1+s3], $0x80, v4, vm0, $0xb8;
	[tilespmem:$0x8200] =	vst v63  }
0xb1: {  	_ = 	snop  }
0xb2: {  	[tilespmem:s24], [sflag:$0x1] =	stream.indirect_vreg.gather [hbm4b:s1+s3], $0x80, v3, vm0, $0xb8;
	[tilespmem:$0x8200] =	vst v63  }
0xb3: {  	v3 =	vld [tilespmem:$0xF0];
	_ =	sdelay $0x4  }
0xb4: {  	v47 =	vshll.u32 v3, $0x1  }
0xb5: {  	v3 =	vand.u32 $0x7, v3;
	v4 =	vand.u32 $0xFFFFFFF0, v47  }
0xb6: {  	v3 =	vor.u32 v3, v4  }
0xb7: {  	v4 =	vperm.xlane v3, v0;
	_ =	sdelay $0x1  }
0xb8: {  	v3 =	vperm.xlane v3, v2;
	v4 =	vadd.s32 v1, v4;
	_ =	sdelay $0x1  }
0xb9: {  	v3 =	vadd.s32 v1, v3;
	_ =	sdelay $0x2  }
0xba: {  	[tilespmem:s25], [sflag:$0x1] =	stream.indirect_vreg.gather [hbm4b:s1+s3], $0x80, v4, vm0, $0xb8;
	[tilespmem:$0x8200] =	vst v63  }
0xbb: {  	_ = 	snop  }
0xbc: {  	[tilespmem:s26], [sflag:$0x1] =	stream.indirect_vreg.gather [hbm4b:s1+s3], $0x80, v3, vm0, $0xb8;
	[tilespmem:$0x8200] =	vst v63  }
0xbd: {  	_ =	swait.ge [sflag:s28], $0x8000  }
0xbe: {  	[sflag:s28] =	ssyncset.done $0x0  }
0xbf: {  	[sflag:s28] =	ssyncadd.s32 $0xFFFF8000  }
0xc0: {  	[hbm4b:s6+s3] =	stream.linear.scatter [tilespmem:s11], [sflag:$0x2], $0x8000, $0x38;
	[tilespmem:$0x8200] =	vst v63  }
0xc1: {  	_ =	swait.ge [sflag:s10], $0x8000  }
0xc2: {  	[sflag:s10] =	ssyncset.done $0x0  }
0xc3: {  	[sflag:s10] =	ssyncadd.s32 $0xFFFF8000  }
0xc4: {  	v3 =	vld [tilespmem:$0x100];
	_ =	sdelay $0x4  }
0xc5: {  	v48 =	vshll.u32 v3, $0x1  }
0xc6: {  	v3 =	vand.u32 $0x7, v3;
	v4 =	vand.u32 $0xFFFFFFF0, v48  }
0xc7: {  	v3 =	vor.u32 v3, v4  }
0xc8: {  	v4 =	vperm.xlane v3, v0;
	_ =	sdelay $0x1  }
0xc9: {  	v3 =	vperm.xlane v3, v2;
	v4 =	vadd.s32 v1, v4;
	_ =	sdelay $0x1  }
0xca: {  	v3 =	vadd.s32 v1, v3;
	_ =	sdelay $0x2  }
0xcb: {  	[tilespmem:s11], [sflag:$0x1] =	stream.indirect_vreg.gather [hbm4b:s1+s3], $0x80, v4, vm0, $0xb8;
	[tilespmem:$0x8200] =	vst v63  }
0xcc: {  	_ = 	snop  }
0xcd: {  	[tilespmem:s12], [sflag:$0x1] =	stream.indirect_vreg.gather [hbm4b:s1+s3], $0x80, v3, vm0, $0xb8;
	[tilespmem:$0x8200] =	vst v63  }
0xce: {  	v3 =	vld [tilespmem:$0x110];
	_ =	sdelay $0x4  }
0xcf: {  	v49 =	vshll.u32 v3, $0x1  }
0xd0: {  	v3 =	vand.u32 $0x7, v3;
	v4 =	vand.u32 $0xFFFFFFF0, v49  }
0xd1: {  	v3 =	vor.u32 v3, v4  }
0xd2: {  	v4 =	vperm.xlane v3, v0;
	_ =	sdelay $0x1  }
0xd3: {  	v3 =	vperm.xlane v3, v2;
	v4 =	vadd.s32 v1, v4;
	_ =	sdelay $0x1  }
0xd4: {  	v3 =	vadd.s32 v1, v3;
	_ =	sdelay $0x2  }
0xd5: {  	[tilespmem:s13], [sflag:$0x1] =	stream.indirect_vreg.gather [hbm4b:s1+s3], $0x80, v4, vm0, $0xb8;
	[tilespmem:$0x8200] =	vst v63  }
0xd6: {  	_ = 	snop  }
0xd7: {  	[tilespmem:s14], [sflag:$0x1] =	stream.indirect_vreg.gather [hbm4b:s1+s3], $0x80, v3, vm0, $0xb8;
	[tilespmem:$0x8200] =	vst v63  }
0xd8: {  	v3 =	vld [tilespmem:$0x120];
	_ =	sdelay $0x4  }
0xd9: {  	v50 =	vshll.u32 v3, $0x1  }
0xda: {  	v3 =	vand.u32 $0x7, v3;
	v4 =	vand.u32 $0xFFFFFFF0, v50  }
0xdb: {  	v3 =	vor.u32 v3, v4  }
0xdc: {  	v4 =	vperm.xlane v3, v0;
	_ =	sdelay $0x1  }
0xdd: {  	v3 =	vperm.xlane v3, v2;
	v4 =	vadd.s32 v1, v4;
	_ =	sdelay $0x1  }
0xde: {  	v3 =	vadd.s32 v1, v3;
	_ =	sdelay $0x2  }
0xdf: {  	[tilespmem:s15], [sflag:$0x1] =	stream.indirect_vreg.gather [hbm4b:s1+s3], $0x80, v4, vm0, $0xb8;
	[tilespmem:$0x8200] =	vst v63  }
0xe0: {  	_ = 	snop  }
0xe1: {  	[tilespmem:s16], [sflag:$0x1] =	stream.indirect_vreg.gather [hbm4b:s1+s3], $0x80, v3, vm0, $0xb8;
	[tilespmem:$0x8200] =	vst v63  }
0xe2: {  	v3 =	vld [tilespmem:$0x130];
	_ =	sdelay $0x4  }
0xe3: {  	v51 =	vshll.u32 v3, $0x1  }
0xe4: {  	v3 =	vand.u32 $0x7, v3;
	v4 =	vand.u32 $0xFFFFFFF0, v51  }
0xe5: {  	v3 =	vor.u32 v3, v4  }
0xe6: {  	v4 =	vperm.xlane v3, v0;
	_ =	sdelay $0x1  }
0xe7: {  	v3 =	vperm.xlane v3, v2;
	v4 =	vadd.s32 v1, v4;
	_ =	sdelay $0x1  }
0xe8: {  	v3 =	vadd.s32 v1, v3;
	_ =	sdelay $0x2  }
0xe9: {  	[tilespmem:s17], [sflag:$0x1] =	stream.indirect_vreg.gather [hbm4b:s1+s3], $0x80, v4, vm0, $0xb8;
	[tilespmem:$0x8200] =	vst v63  }
0xea: {  	_ = 	snop  }
0xeb: {  	[tilespmem:s18], [sflag:$0x1] =	stream.indirect_vreg.gather [hbm4b:s1+s3], $0x80, v3, vm0, $0xb8;
	[tilespmem:$0x8200] =	vst v63  }
0xec: {  	v3 =	vld [tilespmem:$0x140];
	_ =	sdelay $0x4  }
0xed: {  	v52 =	vshll.u32 v3, $0x1  }
0xee: {  	v3 =	vand.u32 $0x7, v3;
	v4 =	vand.u32 $0xFFFFFFF0, v52  }
0xef: {  	v3 =	vor.u32 v3, v4  }
0xf0: {  	v4 =	vperm.xlane v3, v0;
	_ =	sdelay $0x1  }
0xf1: {  	v3 =	vperm.xlane v3, v2;
	v4 =	vadd.s32 v1, v4;
	_ =	sdelay $0x1  }
0xf2: {  	v3 =	vadd.s32 v1, v3;
	_ =	sdelay $0x2  }
0xf3: {  	[tilespmem:s19], [sflag:$0x1] =	stream.indirect_vreg.gather [hbm4b:s1+s3], $0x80, v4, vm0, $0xb8;
	[tilespmem:$0x8200] =	vst v63  }
0xf4: {  	_ = 	snop  }
0xf5: {  	[tilespmem:s20], [sflag:$0x1] =	stream.indirect_vreg.gather [hbm4b:s1+s3], $0x80, v3, vm0, $0xb8;
	[tilespmem:$0x8200] =	vst v63  }
0xf6: {  	v3 =	vld [tilespmem:$0x150];
	_ =	sdelay $0x4  }
0xf7: {  	v53 =	vshll.u32 v3, $0x1  }
0xf8: {  	v3 =	vand.u32 $0x7, v3;
	v4 =	vand.u32 $0xFFFFFFF0, v53  }
0xf9: {  	v3 =	vor.u32 v3, v4  }
0xfa: {  	v4 =	vperm.xlane v3, v0;
	_ =	sdelay $0x1  }
0xfb: {  	v3 =	vperm.xlane v3, v2;
	v4 =	vadd.s32 v1, v4;
	_ =	sdelay $0x1  }
0xfc: {  	v3 =	vadd.s32 v1, v3;
	_ =	sdelay $0x2  }
0xfd: {  	[tilespmem:s21], [sflag:$0x1] =	stream.indirect_vreg.gather [hbm4b:s1+s3], $0x80, v4, vm0, $0xb8;
	[tilespmem:$0x8200] =	vst v63  }
0xfe: {  	_ = 	snop  }
0xff: {  	[tilespmem:s22], [sflag:$0x1] =	stream.indirect_vreg.gather [hbm4b:s1+s3], $0x80, v3, vm0, $0xb8;
	[tilespmem:$0x8200] =	vst v63  }
0x100: {  	v3 =	vld [tilespmem:$0x160];
	_ =	sdelay $0x4  }
0x101: {  	v54 =	vshll.u32 v3, $0x1  }
0x102: {  	v3 =	vand.u32 $0x7, v3;
	v4 =	vand.u32 $0xFFFFFFF0, v54  }
0x103: {  	v3 =	vor.u32 v3, v4  }
0x104: {  	v4 =	vperm.xlane v3, v0;
	_ =	sdelay $0x1  }
0x105: {  	v3 =	vperm.xlane v3, v2;
	v4 =	vadd.s32 v1, v4;
	_ =	sdelay $0x1  }
0x106: {  	v3 =	vadd.s32 v1, v3;
	_ =	sdelay $0x2  }
0x107: {  	[tilespmem:s23], [sflag:$0x1] =	stream.indirect_vreg.gather [hbm4b:s1+s3], $0x80, v4, vm0, $0xb8;
	[tilespmem:$0x8200] =	vst v63  }
0x108: {  	_ = 	snop  }
0x109: {  	[tilespmem:s24], [sflag:$0x1] =	stream.indirect_vreg.gather [hbm4b:s1+s3], $0x80, v3, vm0, $0xb8;
	[tilespmem:$0x8200] =	vst v63  }
0x10a: {  	v3 =	vld [tilespmem:$0x170];
	_ =	sdelay $0x4  }
0x10b: {  	v55 =	vshll.u32 v3, $0x1  }
0x10c: {  	v3 =	vand.u32 $0x7, v3;
	v4 =	vand.u32 $0xFFFFFFF0, v55  }
0x10d: {  	v3 =	vor.u32 v3, v4  }
0x10e: {  	v4 =	vperm.xlane v3, v0;
	_ =	sdelay $0x1  }
0x10f: {  	v3 =	vperm.xlane v3, v2;
	v4 =	vadd.s32 v1, v4;
	_ =	sdelay $0x1  }
0x110: {  	v3 =	vadd.s32 v1, v3;
	_ =	sdelay $0x2  }
0x111: {  	[tilespmem:s25], [sflag:$0x1] =	stream.indirect_vreg.gather [hbm4b:s1+s3], $0x80, v4, vm0, $0xb8;
	[tilespmem:$0x8200] =	vst v63  }
0x112: {  	_ = 	snop  }
0x113: {  	[tilespmem:s26], [sflag:$0x1] =	stream.indirect_vreg.gather [hbm4b:s1+s3], $0x80, v3, vm0, $0xb8;
	[tilespmem:$0x8200] =	vst v63  }
0x114: {  	_ =	swait.ge [sflag:s28], $0x8000  }
0x115: {  	[sflag:s28] =	ssyncset.done $0x0  }
0x116: {  	[sflag:s28] =	ssyncadd.s32 $0xFFFF8000  }
0x117: {  	[hbm4b:s7+s3] =	stream.linear.scatter [tilespmem:s11], [sflag:$0x2], $0x8000, $0x38;
	[tilespmem:$0x8200] =	vst v63  }
0x118: {  	_ =	swait.ge [sflag:s10], $0x8000  }
0x119: {  	[sflag:s10] =	ssyncset.done $0x0  }
0x11a: {  	[sflag:s10] =	ssyncadd.s32 $0xFFFF8000  }
0x11b: {  	v3 =	vld [tilespmem:$0x180];
	_ =	sdelay $0x4  }
0x11c: {  	v56 =	vshll.u32 v3, $0x1  }
0x11d: {  	v3 =	vand.u32 $0x7, v3;
	v4 =	vand.u32 $0xFFFFFFF0, v56  }
0x11e: {  	v3 =	vor.u32 v3, v4  }
0x11f: {  	v4 =	vperm.xlane v3, v0;
	_ =	sdelay $0x1  }
0x120: {  	v3 =	vperm.xlane v3, v2;
	v4 =	vadd.s32 v1, v4;
	_ =	sdelay $0x1  }
0x121: {  	v3 =	vadd.s32 v1, v3;
	_ =	sdelay $0x2  }
0x122: {  	[tilespmem:s11], [sflag:$0x1] =	stream.indirect_vreg.gather [hbm4b:s1+s3], $0x80, v4, vm0, $0xb8;
	[tilespmem:$0x8200] =	vst v63  }
0x123: {  	_ = 	snop  }
0x124: {  	[tilespmem:s12], [sflag:$0x1] =	stream.indirect_vreg.gather [hbm4b:s1+s3], $0x80, v3, vm0, $0xb8;
	[tilespmem:$0x8200] =	vst v63  }
0x125: {  	v3 =	vld [tilespmem:$0x190];
	_ =	sdelay $0x4  }
0x126: {  	v57 =	vshll.u32 v3, $0x1  }
0x127: {  	v3 =	vand.u32 $0x7, v3;
	v4 =	vand.u32 $0xFFFFFFF0, v57  }
0x128: {  	v3 =	vor.u32 v3, v4  }
0x129: {  	v4 =	vperm.xlane v3, v0;
	_ =	sdelay $0x1  }
0x12a: {  	v3 =	vperm.xlane v3, v2;
	v4 =	vadd.s32 v1, v4;
	_ =	sdelay $0x1  }
0x12b: {  	v3 =	vadd.s32 v1, v3;
	_ =	sdelay $0x2  }
0x12c: {  	[tilespmem:s13], [sflag:$0x1] =	stream.indirect_vreg.gather [hbm4b:s1+s3], $0x80, v4, vm0, $0xb8;
	[tilespmem:$0x8200] =	vst v63  }
0x12d: {  	_ = 	snop  }
0x12e: {  	[tilespmem:s14], [sflag:$0x1] =	stream.indirect_vreg.gather [hbm4b:s1+s3], $0x80, v3, vm0, $0xb8;
	[tilespmem:$0x8200] =	vst v63  }
0x12f: {  	v3 =	vld [tilespmem:$0x1A0];
	_ =	sdelay $0x4  }
0x130: {  	v58 =	vshll.u32 v3, $0x1  }
0x131: {  	v3 =	vand.u32 $0x7, v3;
	v4 =	vand.u32 $0xFFFFFFF0, v58  }
0x132: {  	v3 =	vor.u32 v3, v4  }
0x133: {  	v4 =	vperm.xlane v3, v0;
	_ =	sdelay $0x1  }
0x134: {  	v3 =	vperm.xlane v3, v2;
	v4 =	vadd.s32 v1, v4;
	_ =	sdelay $0x1  }
0x135: {  	v3 =	vadd.s32 v1, v3;
	_ =	sdelay $0x2  }
0x136: {  	[tilespmem:s15], [sflag:$0x1] =	stream.indirect_vreg.gather [hbm4b:s1+s3], $0x80, v4, vm0, $0xb8;
	[tilespmem:$0x8200] =	vst v63  }
0x137: {  	_ = 	snop  }
0x138: {  	[tilespmem:s16], [sflag:$0x1] =	stream.indirect_vreg.gather [hbm4b:s1+s3], $0x80, v3, vm0, $0xb8;
	[tilespmem:$0x8200] =	vst v63  }
0x139: {  	v3 =	vld [tilespmem:$0x1B0];
	_ =	sdelay $0x4  }
0x13a: {  	v59 =	vshll.u32 v3, $0x1  }
0x13b: {  	v3 =	vand.u32 $0x7, v3;
	v4 =	vand.u32 $0xFFFFFFF0, v59  }
0x13c: {  	v3 =	vor.u32 v3, v4  }
0x13d: {  	v4 =	vperm.xlane v3, v0;
	_ =	sdelay $0x1  }
0x13e: {  	v3 =	vperm.xlane v3, v2;
	v4 =	vadd.s32 v1, v4;
	_ =	sdelay $0x1  }
0x13f: {  	v3 =	vadd.s32 v1, v3;
	_ =	sdelay $0x2  }
0x140: {  	[tilespmem:s17], [sflag:$0x1] =	stream.indirect_vreg.gather [hbm4b:s1+s3], $0x80, v4, vm0, $0xb8;
	[tilespmem:$0x8200] =	vst v63  }
0x141: {  	_ = 	snop  }
0x142: {  	[tilespmem:s18], [sflag:$0x1] =	stream.indirect_vreg.gather [hbm4b:s1+s3], $0x80, v3, vm0, $0xb8;
	[tilespmem:$0x8200] =	vst v63  }
0x143: {  	v3 =	vld [tilespmem:$0x1C0];
	_ =	sdelay $0x4  }
0x144: {  	v60 =	vshll.u32 v3, $0x1  }
0x145: {  	v3 =	vand.u32 $0x7, v3;
	v4 =	vand.u32 $0xFFFFFFF0, v60  }
0x146: {  	v3 =	vor.u32 v3, v4  }
0x147: {  	v4 =	vperm.xlane v3, v0;
	_ =	sdelay $0x1  }
0x148: {  	v3 =	vperm.xlane v3, v2;
	v4 =	vadd.s32 v1, v4;
	_ =	sdelay $0x1  }
0x149: {  	v3 =	vadd.s32 v1, v3;
	_ =	sdelay $0x2  }
0x14a: {  	[tilespmem:s19], [sflag:$0x1] =	stream.indirect_vreg.gather [hbm4b:s1+s3], $0x80, v4, vm0, $0xb8;
	[tilespmem:$0x8200] =	vst v63  }
0x14b: {  	_ = 	snop  }
0x14c: {  	[tilespmem:s20], [sflag:$0x1] =	stream.indirect_vreg.gather [hbm4b:s1+s3], $0x80, v3, vm0, $0xb8;
	[tilespmem:$0x8200] =	vst v63  }
0x14d: {  	v3 =	vld [tilespmem:$0x1D0];
	_ =	sdelay $0x4  }
0x14e: {  	v61 =	vshll.u32 v3, $0x1  }
0x14f: {  	v3 =	vand.u32 $0x7, v3;
	v4 =	vand.u32 $0xFFFFFFF0, v61  }
0x150: {  	v3 =	vor.u32 v3, v4  }
0x151: {  	v4 =	vperm.xlane v3, v0;
	_ =	sdelay $0x1  }
0x152: {  	v3 =	vperm.xlane v3, v2;
	v4 =	vadd.s32 v1, v4;
	_ =	sdelay $0x1  }
0x153: {  	v3 =	vadd.s32 v1, v3;
	_ =	sdelay $0x2  }
0x154: {  	[tilespmem:s21], [sflag:$0x1] =	stream.indirect_vreg.gather [hbm4b:s1+s3], $0x80, v4, vm0, $0xb8;
	[tilespmem:$0x8200] =	vst v63  }
0x155: {  	_ = 	snop  }
0x156: {  	[tilespmem:s22], [sflag:$0x1] =	stream.indirect_vreg.gather [hbm4b:s1+s3], $0x80, v3, vm0, $0xb8;
	[tilespmem:$0x8200] =	vst v63  }
0x157: {  	v3 =	vld [tilespmem:$0x1E0];
	_ =	sdelay $0x4  }
0x158: {  	v62 =	vshll.u32 v3, $0x1  }
0x159: {  	v3 =	vand.u32 $0x7, v3;
	v4 =	vand.u32 $0xFFFFFFF0, v62  }
0x15a: {  	v3 =	vor.u32 v3, v4  }
0x15b: {  	v4 =	vperm.xlane v3, v0;
	_ =	sdelay $0x1  }
0x15c: {  	v3 =	vperm.xlane v3, v2;
	v4 =	vadd.s32 v1, v4;
	_ =	sdelay $0x1  }
0x15d: {  	v3 =	vadd.s32 v1, v3;
	_ =	sdelay $0x2  }
0x15e: {  	[tilespmem:s23], [sflag:$0x1] =	stream.indirect_vreg.gather [hbm4b:s1+s3], $0x80, v4, vm0, $0xb8;
	[tilespmem:$0x8200] =	vst v63  }
0x15f: {  	_ = 	snop  }
0x160: {  	[tilespmem:s24], [sflag:$0x1] =	stream.indirect_vreg.gather [hbm4b:s1+s3], $0x80, v3, vm0, $0xb8;
	[tilespmem:$0x8200] =	vst v63  }
0x161: {  	v3 =	vld [tilespmem:$0x1F0];
	_ =	sdelay $0x4  }
0x162: {  	v63 =	vshll.u32 v3, $0x1  }
0x163: {  	v3 =	vand.u32 $0x7, v3;
	v4 =	vand.u32 $0xFFFFFFF0, v63  }
0x164: {  	v3 =	vor.u32 v3, v4  }
0x165: {  	v4 =	vperm.xlane v3, v0;
	_ =	sdelay $0x1  }
0x166: {  	v3 =	vperm.xlane v3, v2;
	v4 =	vadd.s32 v1, v4;
	_ =	sdelay $0x1  }
0x167: {  	v3 =	vadd.s32 v1, v3;
	_ =	sdelay $0x2  }
0x168: {  	[tilespmem:s25], [sflag:$0x1] =	stream.indirect_vreg.gather [hbm4b:s1+s3], $0x80, v4, vm0, $0xb8;
	[tilespmem:$0x8200] =	vst v63  }
0x169: {  	_ = 	snop  }
0x16a: {  	[tilespmem:s26], [sflag:$0x1] =	stream.indirect_vreg.gather [hbm4b:s1+s3], $0x80, v3, vm0, $0xb8;
	[tilespmem:$0x8200] =	vst v63  }
0x16b: {  	_ =	swait.ge [sflag:s28], $0x8000  }
0x16c: {  	p0 =	sne.s32 s9, $0x1;
	[sflag:s28] =	ssyncset.done $0x0  }
.Ltmp0:
0x16d: {  	[sflag:s28] =	ssyncadd.s32 $0xFFFF8000;
	(pc) =	sbr.rel @p0 .LBB2_1-.Ltmp0, $4  }
0x16e: {  	[hbm4b:s8+s3] =	stream.linear.scatter [tilespmem:s11], [sflag:$0x2], $0x8000, $0x38;
	[tilespmem:$0x8200] =	vst v63  }
0x16f: {  	_ =	swait.ge [sflag:s10], $0x8000  }
0x170: {  	[sflag:s10] =	ssyncset.done $0x0  }
0x171: {  	s9 =	sadd.s32 $0xFFFFFFFF, s9;
	[sflag:s10] =	ssyncadd.s32 $0xFFFF8000  }
0x172: {  	_ =	sfence.sel $0x180000  }
0x173: {  	[bflag:$0x0] =	sbarrier.arrive $0xFFFF  }
0x174: {  	p0 =	sne.s32 s2, $0x0;
	_ =	strace $0x90000047  }
0x175: {  	s0 =	sadd.s32 @!p0 $0x100000, s0;
	[bflag:$0x2] =	sbarrier.arrive $0xFFFF  }
0x176: {  	[sflag:s0] =	ssyncadd.tile.s32 @!p0 $0x1;
	_ =	shalt  }
.Lfunc_end2:
_tile_overlayer_lowered:
.L_overlay_start_2:
0x177: {  	(tag) =	ssettag $0x2  }
0x178: {  	s0 =	rddreg [dreg:$0x0];
	s2 =	stileid.u32  }
0x179: {  	s1 =	rddreg [dreg:$0x1];
	p0 =	sne.s32 s2, $0x0  }
0x17a: {  	s3 =	rddreg [dreg:$0x2];
	[bflag:$0x3] =	sbarrier.arrive $0xFFFF;
	s2 =	simm.s32 @!p0 $0x1C02  }
0x17b: {  	[timem:s3], [sflag:s2] =	dma.local @!p0 [hbm:s0], s1  }
0x17c: {  	s0 =	simm.s32 @!p0 $0x2  }
0x17d: {  	_ =	swait.ge @!p0 [sflag:s0], s1  }
0x17e: {  	s1 =	ssub.s32 @!p0 $0x0, s1;
	[sflag:s0] =	ssyncset.done @!p0 $0x0  }
0x17f: {  	[sflag:s0] =	ssyncadd.s32 @!p0 s1  }
0x180: {  	[bflag:$0x3] =	sbarrier.arrive $0xFFFF  }
0x181: {  	_ =	shalt  }

</sc_bundles>
